<compile_context>
chip_gen: v7x
topology: tpu7x:2x2x1
jax: 0.10.2.dev20260603
libtpu: 0.0.44.dev20260713+nightly
codegen_flags: <defaults>
</compile_context>

<pallas_src>
import functools

import jax
import jax.numpy as jnp
from jax import lax
from jax.experimental import pallas as pl
from jax.experimental.pallas import tpu as pltpu
from jax.experimental.pallas import tpu_sc as plsc

B = 16384
H = 50
D = 32
NC, NS = 2, 16
NW = NC * NS
PB = B // NW
IW = 128
ND = PB // IW
NB = 2
PBP = PB + 1
L = 16


@functools.cache
def _build():
    mesh = plsc.VectorSubcoreMesh(
        core_axis_name="c", subcore_axis_name="s",
        num_cores=NC, num_subcores=NS)

    @functools.partial(
        pl.kernel,
        out_type=jax.ShapeDtypeStruct((H, D, B), jnp.float32),
        mesh=mesh,
        compiler_params=pltpu.CompilerParams(
            use_tc_tiling_on_sc=False, needs_layout_passes=False),
        scratch_types=[
            pltpu.VMEM((H, PB), jnp.int32),
            pltpu.VMEM((NB, PB, D), jnp.float32),
            pltpu.VMEM((NB, D, PBP), jnp.float32),
            pltpu.SemaphoreType.DMA,
            pltpu.SemaphoreType.DMA,
        ],
    )
    def k(idx_hbm, table_hbm, out_hbm, idx_v, gbuf, tbuf, sem_g, sem_out):
        wid = lax.axis_index("s") * NC + lax.axis_index("c")
        base = wid * PB
        pltpu.sync_copy(idx_hbm.at[:, pl.ds(base, PB)], idx_v)
        lanes_lo = lax.iota(jnp.int32, L)
        lanes_hi = lanes_lo + L

        def transpose_block(b):
            @plsc.parallel_loop(0, PB, unroll=8,
                                carry=jnp.zeros((L,), jnp.int32))
            def per_row(r, rvec):
                v0 = gbuf[b, r, pl.ds(0, L)]
                v1 = gbuf[b, r, pl.ds(L, L)]
                plsc.store_scatter(tbuf.at[b], [lanes_lo, rvec], v0)
                plsc.store_scatter(tbuf.at[b], [lanes_hi, rvec], v1)
                return rvec + 1

        @pl.loop(0, H // NB)
        def body(g):
            @pl.when(g > 0)
            def _():
                for b in range(NB):
                    pltpu.make_async_copy(
                        tbuf.at[b, :, pl.ds(0, PB)],
                        out_hbm.at[0, :, pl.ds(0, PB)], sem_out
                    ).wait()

            descs = []
            for b in range(NB):
                h = g * NB + b
                for q in range(ND):
                    d = pltpu.async_copy(
                        table_hbm.at[idx_v.at[h, pl.ds(q * IW, IW)]],
                        gbuf.at[b, pl.ds(q * IW, IW)],
                        sem_g)
                    descs.append(d)
            for b in range(NB):
                for q in range(ND):
                    descs[b * ND + q].wait()
                transpose_block(b)
                h = g * NB + b
                pltpu.async_copy(
                    tbuf.at[b, :, pl.ds(0, PB)],
                    out_hbm.at[h, :, pl.ds(base, PB)],
                    sem_out)

        for b in range(NB):
            pltpu.make_async_copy(
                tbuf.at[b, :, pl.ds(0, PB)],
                out_hbm.at[0, :, pl.ds(0, PB)], sem_out
            ).wait()

    return k


def kernel(label_idx, embedding_center):
    idx_t = jnp.transpose(label_idx.astype(jnp.int32))
    out_t = _build()(idx_t, embedding_center)
    return jnp.transpose(out_t, (2, 0, 1))

# --- scband reference (transcript-rebuilt; emitter-appended) ---
"""Pipeline reference for scband-word2-vec-embed-7060926234950 (READ-ONLY COPY).

The authoritative reference and input builder live on the scoring server;
editing this copy changes nothing except your own understanding.
"""

import jax, jax.numpy as jnp
import numpy as np

VOCAB_SIZE = 1000000
FEATURE_DIM = 32
BATCH = 16384
HIST = 50


def setup_inputs(seed: int = 0) -> dict:
    key = jax.random.key(seed)
    k_idx, k_center = jax.random.split(key, 2)
    label_idx = jax.random.randint(k_idx, (BATCH, HIST), 0, VOCAB_SIZE, dtype=jnp.int64 if jax.config.jax_enable_x64 else jnp.int32)
    embedding_center = jax.random.normal(k_center, (VOCAB_SIZE, FEATURE_DIM), dtype=jnp.float32)
    return {"label_idx": label_idx, "embedding_center": embedding_center}


def reference(label_idx, embedding_center):
    # Word2VecEmbed.forward: self.embedding_center[label_idx]
    return jnp.take(embedding_center, label_idx, axis=0)

if __name__ == "__main__":
    import jax
    _d = setup_inputs()
    print(jax.jit(kernel)(*tuple(_d.values())))

</pallas_src>

<mosaic_0001>
#map = affine_map<(d0, d1) -> (0, 0)>
#map1 = affine_map<(d0, d1) -> (0, 0, 0)>
module attributes {stable_mosaic.version = 14 : i64} {
  func.func @k(%arg0: i32, %arg1: i32, %arg2: memref<50x16384xi32, #tpu.memory_space<hbm>>, %arg3: memref<1000000x32xf32, #tpu.memory_space<hbm>>, %arg4: memref<50x32x16384xf32, #tpu.memory_space<hbm>>, %arg5: memref<50x512xi32, #tpu.memory_space<vmem>>, %arg6: memref<2x512x32xf32, #tpu.memory_space<vmem>>, %arg7: memref<2x32x513xf32, #tpu.memory_space<vmem>>, %arg8: memref<!tpu.dma_semaphore, #tpu.memory_space<semaphore_mem>>, %arg9: memref<!tpu.dma_semaphore, #tpu.memory_space<semaphore_mem>>) attributes {dimension_semantics = [#tpu.dimension_semantics<core_parallel>, #tpu.dimension_semantics<subcore_parallel>], iteration_bounds = array<i64: 2, 16>, scalar_prefetch = 0 : i64, scratch_operands = 5 : i64, tpu.core_type = #tpu.core_type<sc_vector_subcore>, window_params = [{transform_indices = #map}, {transform_indices = #map}, {transform_indices = #map1}]} {
    %mul3A = arith.constant 2 : i32
    %mul3A_0 = arith.muli %arg1, %mul3A : i32
    %add3A = arith.addi %mul3A_0, %arg0 : i32
    %mul3A_1 = arith.constant 512 : i32
    %mul3A_2 = arith.muli %add3A, %mul3A_1 : i32
    "tpu.region"() ({
      %run_scoped3A = tpu.sem_alloc : memref<!tpu.dma_semaphore, #tpu.memory_space<semaphore_mem>>
      %dma_start3A = arith.constant 0 : i32
      %dma_start3A_45 = tpu.memref_slice %arg2[%dma_start3A, %mul3A_2] : memref<50x16384xi32, #tpu.memory_space<hbm>> -> memref<50x512xi32, #tpu.memory_space<hbm>>
      %dma_start3A_46 = arith.constant 0 : i32
      %dma_start3A_47 = tpu.memref_slice %arg2[%dma_start3A_46, %mul3A_2] : memref<50x16384xi32, #tpu.memory_space<hbm>> -> memref<50x512xi32, #tpu.memory_space<hbm>>
      tpu.enqueue_dma source(%dma_start3A_47 : memref<50x512xi32, #tpu.memory_space<hbm>>) target(%arg5 : memref<50x512xi32, #tpu.memory_space<vmem>>) target_semaphore(%run_scoped3A : memref<!tpu.dma_semaphore, #tpu.memory_space<semaphore_mem>>)
      %dma_wait3A_48 = arith.constant 0 : i32
      %dma_wait3A_49 = tpu.memref_slice %arg2[%dma_wait3A_48, %mul3A_2] : memref<50x16384xi32, #tpu.memory_space<hbm>> -> memref<50x512xi32, #tpu.memory_space<hbm>>
      %dma_wait3A_50 = arith.constant 0 : i32
      %dma_wait3A_51 = tpu.memref_slice %arg2[%dma_wait3A_50, %mul3A_2] : memref<50x16384xi32, #tpu.memory_space<hbm>> -> memref<50x512xi32, #tpu.memory_space<hbm>>
      tpu.wait_dma2 semaphore(%run_scoped3A : memref<!tpu.dma_semaphore, #tpu.memory_space<semaphore_mem>>) src(%dma_wait3A_51 : memref<50x512xi32, #tpu.memory_space<hbm>>) dst(%arg5 : memref<50x512xi32, #tpu.memory_space<vmem>>)
      tpu.yield
    }) : () -> ()
    %iota3A = tpu.iota {dimensions = array<i32: 0>} : vector<16xi32>
    %add3A_3 = arith.constant 16 : i32
    %add3A_4 = vector.broadcast %add3A_3 : i32 to vector<16xi32>
    %add3A_5 = arith.addi %iota3A, %add3A_4 : vector<16xi32>
    %scan3A = arith.constant 0 : i32
    %scan3A_6 = arith.constant 25 : i32
    %scan3A_7 = arith.addi %scan3A, %scan3A_6 : i32
    %scan3A_8 = arith.constant 1 : i32
    scf.for %scan3A_45 = %scan3A to %scan3A_7 step %scan3A_8  : i32 {
      %mul3A_46 = arith.constant 1 : i32
      %mul3A_47 = arith.muli %scan3A_45, %mul3A_46 : i32
      %add3A_48 = arith.constant 0 : i32
      %add3A_49 = arith.addi %add3A_48, %mul3A_47 : i32
      %gt3A = arith.constant 0 : i32
      %gt3A_50 = arith.cmpi sgt, %add3A_49, %gt3A : i32
      %convert_element_type3A = arith.extui %gt3A_50 : i1 to i32
      %cond3A = arith.constant 0 : i32
      %cond3A_51 = arith.cmpi ne, %convert_element_type3A, %cond3A : i32
      scf.if %cond3A_51 {
        %dma_wait3A_283 = arith.constant 0 : i32
        %dma_wait3A_284 = arith.constant 0 : i32
        %dma_wait3A_285 = arith.constant 0 : i32
        %dma_wait3A_286 = arith.constant 0 : i32
        %dma_wait3A_287 = tpu.memref_slice %arg7[%dma_wait3A_283, %dma_wait3A_285, %dma_wait3A_286] : memref<2x32x513xf32, #tpu.memory_space<vmem>> -> memref<1x32x512xf32, #tpu.memory_space<vmem>>
        %dma_wait3A_288 = tpu.memref_squeeze %dma_wait3A_287 : memref<1x32x512xf32, #tpu.memory_space<vmem>> -> memref<32x512xf32, #tpu.memory_space<vmem>>
        %dma_wait3A_289 = arith.constant 0 : i32
        %dma_wait3A_290 = arith.constant 0 : i32
        %dma_wait3A_291 = tpu.memref_slice %arg4[%dma_wait3A_284, %dma_wait3A_289, %dma_wait3A_290] : memref<50x32x16384xf32, #tpu.memory_space<hbm>> -> memref<1x32x512xf32, #tpu.memory_space<hbm>>
        %dma_wait3A_292 = tpu.memref_squeeze %dma_wait3A_291 : memref<1x32x512xf32, #tpu.memory_space<hbm>> -> memref<32x512xf32, #tpu.memory_space<hbm>>
        %dma_wait3A_293 = arith.constant 0 : i32
        %dma_wait3A_294 = arith.constant 0 : i32
        %dma_wait3A_295 = tpu.memref_slice %arg4[%dma_wait3A_284, %dma_wait3A_293, %dma_wait3A_294] : memref<50x32x16384xf32, #tpu.memory_space<hbm>> -> memref<1x32x512xf32, #tpu.memory_space<hbm>>
        %dma_wait3A_296 = tpu.memref_squeeze %dma_wait3A_295 : memref<1x32x512xf32, #tpu.memory_space<hbm>> -> memref<32x512xf32, #tpu.memory_space<hbm>>
        %dma_wait3A_297 = arith.constant 0 : i32
        %dma_wait3A_298 = arith.constant 0 : i32
        %dma_wait3A_299 = tpu.memref_slice %arg7[%dma_wait3A_283, %dma_wait3A_297, %dma_wait3A_298] : memref<2x32x513xf32, #tpu.memory_space<vmem>> -> memref<1x32x512xf32, #tpu.memory_space<vmem>>
        %dma_wait3A_300 = tpu.memref_squeeze %dma_wait3A_299 : memref<1x32x512xf32, #tpu.memory_space<vmem>> -> memref<32x512xf32, #tpu.memory_space<vmem>>
        tpu.wait_dma2 semaphore(%arg9 : memref<!tpu.dma_semaphore, #tpu.memory_space<semaphore_mem>>) src(%dma_wait3A_300 : memref<32x512xf32, #tpu.memory_space<vmem>>) dst(%dma_wait3A_296 : memref<32x512xf32, #tpu.memory_space<hbm>>)
        %dma_wait3A_301 = arith.constant 1 : i32
        %dma_wait3A_302 = arith.constant 0 : i32
        %dma_wait3A_303 = arith.constant 0 : i32
        %dma_wait3A_304 = arith.constant 0 : i32
        %dma_wait3A_305 = tpu.memref_slice %arg7[%dma_wait3A_301, %dma_wait3A_303, %dma_wait3A_304] : memref<2x32x513xf32, #tpu.memory_space<vmem>> -> memref<1x32x512xf32, #tpu.memory_space<vmem>>
        %dma_wait3A_306 = tpu.memref_squeeze %dma_wait3A_305 : memref<1x32x512xf32, #tpu.memory_space<vmem>> -> memref<32x512xf32, #tpu.memory_space<vmem>>
        %dma_wait3A_307 = arith.constant 0 : i32
        %dma_wait3A_308 = arith.constant 0 : i32
        %dma_wait3A_309 = tpu.memref_slice %arg4[%dma_wait3A_302, %dma_wait3A_307, %dma_wait3A_308] : memref<50x32x16384xf32, #tpu.memory_space<hbm>> -> memref<1x32x512xf32, #tpu.memory_space<hbm>>
        %dma_wait3A_310 = tpu.memref_squeeze %dma_wait3A_309 : memref<1x32x512xf32, #tpu.memory_space<hbm>> -> memref<32x512xf32, #tpu.memory_space<hbm>>
        %dma_wait3A_311 = arith.constant 0 : i32
        %dma_wait3A_312 = arith.constant 0 : i32
        %dma_wait3A_313 = tpu.memref_slice %arg4[%dma_wait3A_302, %dma_wait3A_311, %dma_wait3A_312] : memref<50x32x16384xf32, #tpu.memory_space<hbm>> -> memref<1x32x512xf32, #tpu.memory_space<hbm>>
        %dma_wait3A_314 = tpu.memref_squeeze %dma_wait3A_313 : memref<1x32x512xf32, #tpu.memory_space<hbm>> -> memref<32x512xf32, #tpu.memory_space<hbm>>
        %dma_wait3A_315 = arith.constant 0 : i32
        %dma_wait3A_316 = arith.constant 0 : i32
        %dma_wait3A_317 = tpu.memref_slice %arg7[%dma_wait3A_301, %dma_wait3A_315, %dma_wait3A_316] : memref<2x32x513xf32, #tpu.memory_space<vmem>> -> memref<1x32x512xf32, #tpu.memory_space<vmem>>
        %dma_wait3A_318 = tpu.memref_squeeze %dma_wait3A_317 : memref<1x32x512xf32, #tpu.memory_space<vmem>> -> memref<32x512xf32, #tpu.memory_space<vmem>>
        tpu.wait_dma2 semaphore(%arg9 : memref<!tpu.dma_semaphore, #tpu.memory_space<semaphore_mem>>) src(%dma_wait3A_318 : memref<32x512xf32, #tpu.memory_space<vmem>>) dst(%dma_wait3A_314 : memref<32x512xf32, #tpu.memory_space<hbm>>)
      } else {
      }
      %mul3A_52 = arith.constant 2 : i32
      %mul3A_53 = arith.muli %add3A_49, %mul3A_52 : i32
      %add3A_54 = arith.constant 0 : i32
      %add3A_55 = arith.addi %mul3A_53, %add3A_54 : i32
      %dma_start3A = arith.constant 0 : i32
      %dma_start3A_56 = arith.constant 0 : i32
      %dma_start3A_57 = arith.constant 0 : i32
      %dma_start3A_58 = tpu.memref_slice %arg6[%dma_start3A, %dma_start3A_56, %dma_start3A_57] : memref<2x512x32xf32, #tpu.memory_space<vmem>> -> memref<1x128x32xf32, #tpu.memory_space<vmem>>
      %dma_start3A_59 = tpu.memref_squeeze %dma_start3A_58 : memref<1x128x32xf32, #tpu.memory_space<vmem>> -> memref<128x32xf32, #tpu.memory_space<vmem>>
      %dma_start3A_60 = arith.constant 0 : i32
      %dma_start3A_61 = tpu.memref_slice %arg5[%add3A_55, %dma_start3A_60] : memref<50x512xi32, #tpu.memory_space<vmem>> -> memref<1x128xi32, #tpu.memory_space<vmem>>
      %dma_start3A_62 = tpu.memref_squeeze %dma_start3A_61 : memref<1x128xi32, #tpu.memory_space<vmem>> -> memref<128xi32, #tpu.memory_space<vmem>>
      %dma_start3A_63 = arith.constant 0 : i32
      %dma_start3A_64 = arith.constant 0 : i32
      %dma_start3A_65 = tpu.memref_slice %arg3[%dma_start3A_63, %dma_start3A_64] : memref<1000000x32xf32, #tpu.memory_space<hbm>> -> memref<1000000x32xf32, #tpu.memory_space<hbm>>
      tpu.enqueue_indirect_dma source(%dma_start3A_65 : memref<1000000x32xf32, #tpu.memory_space<hbm>>) target(%dma_start3A_59 : memref<128x32xf32, #tpu.memory_space<vmem>>) offsets(%dma_start3A_62 : memref<128xi32, #tpu.memory_space<vmem>>) semaphore(%arg8 : memref<!tpu.dma_semaphore, #tpu.memory_space<semaphore_mem>>)
      %dma_start3A_66 = arith.constant 0 : i32
      %dma_start3A_67 = arith.constant 128 : i32
      %dma_start3A_68 = arith.constant 0 : i32
      %dma_start3A_69 = tpu.memref_slice %arg6[%dma_start3A_66, %dma_start3A_67, %dma_start3A_68] : memref<2x512x32xf32, #tpu.memory_space<vmem>> -> memref<1x128x32xf32, #tpu.memory_space<vmem>>
      %dma_start3A_70 = tpu.memref_squeeze %dma_start3A_69 : memref<1x128x32xf32, #tpu.memory_space<vmem>> -> memref<128x32xf32, #tpu.memory_space<vmem>>
      %dma_start3A_71 = arith.constant 128 : i32
      %dma_start3A_72 = tpu.memref_slice %arg5[%add3A_55, %dma_start3A_71] : memref<50x512xi32, #tpu.memory_space<vmem>> -> memref<1x128xi32, #tpu.memory_space<vmem>>
      %dma_start3A_73 = tpu.memref_squeeze %dma_start3A_72 : memref<1x128xi32, #tpu.memory_space<vmem>> -> memref<128xi32, #tpu.memory_space<vmem>>
      %dma_start3A_74 = arith.constant 0 : i32
      %dma_start3A_75 = arith.constant 0 : i32
      %dma_start3A_76 = tpu.memref_slice %arg3[%dma_start3A_74, %dma_start3A_75] : memref<1000000x32xf32, #tpu.memory_space<hbm>> -> memref<1000000x32xf32, #tpu.memory_space<hbm>>
      tpu.enqueue_indirect_dma source(%dma_start3A_76 : memref<1000000x32xf32, #tpu.memory_space<hbm>>) target(%dma_start3A_70 : memref<128x32xf32, #tpu.memory_space<vmem>>) offsets(%dma_start3A_73 : memref<128xi32, #tpu.memory_space<vmem>>) semaphore(%arg8 : memref<!tpu.dma_semaphore, #tpu.memory_space<semaphore_mem>>)
      %dma_start3A_77 = arith.constant 0 : i32
      %dma_start3A_78 = arith.constant 256 : i32
      %dma_start3A_79 = arith.constant 0 : i32
      %dma_start3A_80 = tpu.memref_slice %arg6[%dma_start3A_77, %dma_start3A_78, %dma_start3A_79] : memref<2x512x32xf32, #tpu.memory_space<vmem>> -> memref<1x128x32xf32, #tpu.memory_space<vmem>>
      %dma_start3A_81 = tpu.memref_squeeze %dma_start3A_80 : memref<1x128x32xf32, #tpu.memory_space<vmem>> -> memref<128x32xf32, #tpu.memory_space<vmem>>
      %dma_start3A_82 = arith.constant 256 : i32
      %dma_start3A_83 = tpu.memref_slice %arg5[%add3A_55, %dma_start3A_82] : memref<50x512xi32, #tpu.memory_space<vmem>> -> memref<1x128xi32, #tpu.memory_space<vmem>>
      %dma_start3A_84 = tpu.memref_squeeze %dma_start3A_83 : memref<1x128xi32, #tpu.memory_space<vmem>> -> memref<128xi32, #tpu.memory_space<vmem>>
      %dma_start3A_85 = arith.constant 0 : i32
      %dma_start3A_86 = arith.constant 0 : i32
      %dma_start3A_87 = tpu.memref_slice %arg3[%dma_start3A_85, %dma_start3A_86] : memref<1000000x32xf32, #tpu.memory_space<hbm>> -> memref<1000000x32xf32, #tpu.memory_space<hbm>>
      tpu.enqueue_indirect_dma source(%dma_start3A_87 : memref<1000000x32xf32, #tpu.memory_space<hbm>>) target(%dma_start3A_81 : memref<128x32xf32, #tpu.memory_space<vmem>>) offsets(%dma_start3A_84 : memref<128xi32, #tpu.memory_space<vmem>>) semaphore(%arg8 : memref<!tpu.dma_semaphore, #tpu.memory_space<semaphore_mem>>)
      %dma_start3A_88 = arith.constant 0 : i32
      %dma_start3A_89 = arith.constant 384 : i32
      %dma_start3A_90 = arith.constant 0 : i32
      %dma_start3A_91 = tpu.memref_slice %arg6[%dma_start3A_88, %dma_start3A_89, %dma_start3A_90] : memref<2x512x32xf32, #tpu.memory_space<vmem>> -> memref<1x128x32xf32, #tpu.memory_space<vmem>>
      %dma_start3A_92 = tpu.memref_squeeze %dma_start3A_91 : memref<1x128x32xf32, #tpu.memory_space<vmem>> -> memref<128x32xf32, #tpu.memory_space<vmem>>
      %dma_start3A_93 = arith.constant 384 : i32
      %dma_start3A_94 = tpu.memref_slice %arg5[%add3A_55, %dma_start3A_93] : memref<50x512xi32, #tpu.memory_space<vmem>> -> memref<1x128xi32, #tpu.memory_space<vmem>>
      %dma_start3A_95 = tpu.memref_squeeze %dma_start3A_94 : memref<1x128xi32, #tpu.memory_space<vmem>> -> memref<128xi32, #tpu.memory_space<vmem>>
      %dma_start3A_96 = arith.constant 0 : i32
      %dma_start3A_97 = arith.constant 0 : i32
      %dma_start3A_98 = tpu.memref_slice %arg3[%dma_start3A_96, %dma_start3A_97] : memref<1000000x32xf32, #tpu.memory_space<hbm>> -> memref<1000000x32xf32, #tpu.memory_space<hbm>>
      tpu.enqueue_indirect_dma source(%dma_start3A_98 : memref<1000000x32xf32, #tpu.memory_space<hbm>>) target(%dma_start3A_92 : memref<128x32xf32, #tpu.memory_space<vmem>>) offsets(%dma_start3A_95 : memref<128xi32, #tpu.memory_space<vmem>>) semaphore(%arg8 : memref<!tpu.dma_semaphore, #tpu.memory_space<semaphore_mem>>)
      %mul3A_99 = arith.constant 2 : i32
      %mul3A_100 = arith.muli %add3A_49, %mul3A_99 : i32
      %add3A_101 = arith.constant 1 : i32
      %add3A_102 = arith.addi %mul3A_100, %add3A_101 : i32
      %dma_start3A_103 = arith.constant 1 : i32
      %dma_start3A_104 = arith.constant 0 : i32
      %dma_start3A_105 = arith.constant 0 : i32
      %dma_start3A_106 = tpu.memref_slice %arg6[%dma_start3A_103, %dma_start3A_104, %dma_start3A_105] : memref<2x512x32xf32, #tpu.memory_space<vmem>> -> memref<1x128x32xf32, #tpu.memory_space<vmem>>
      %dma_start3A_107 = tpu.memref_squeeze %dma_start3A_106 : memref<1x128x32xf32, #tpu.memory_space<vmem>> -> memref<128x32xf32, #tpu.memory_space<vmem>>
      %dma_start3A_108 = arith.constant 0 : i32
      %dma_start3A_109 = tpu.memref_slice %arg5[%add3A_102, %dma_start3A_108] : memref<50x512xi32, #tpu.memory_space<vmem>> -> memref<1x128xi32, #tpu.memory_space<vmem>>
      %dma_start3A_110 = tpu.memref_squeeze %dma_start3A_109 : memref<1x128xi32, #tpu.memory_space<vmem>> -> memref<128xi32, #tpu.memory_space<vmem>>
      %dma_start3A_111 = arith.constant 0 : i32
      %dma_start3A_112 = arith.constant 0 : i32
      %dma_start3A_113 = tpu.memref_slice %arg3[%dma_start3A_111, %dma_start3A_112] : memref<1000000x32xf32, #tpu.memory_space<hbm>> -> memref<1000000x32xf32, #tpu.memory_space<hbm>>
      tpu.enqueue_indirect_dma source(%dma_start3A_113 : memref<1000000x32xf32, #tpu.memory_space<hbm>>) target(%dma_start3A_107 : memref<128x32xf32, #tpu.memory_space<vmem>>) offsets(%dma_start3A_110 : memref<128xi32, #tpu.memory_space<vmem>>) semaphore(%arg8 : memref<!tpu.dma_semaphore, #tpu.memory_space<semaphore_mem>>)
      %dma_start3A_114 = arith.constant 1 : i32
      %dma_start3A_115 = arith.constant 128 : i32
      %dma_start3A_116 = arith.constant 0 : i32
      %dma_start3A_117 = tpu.memref_slice %arg6[%dma_start3A_114, %dma_start3A_115, %dma_start3A_116] : memref<2x512x32xf32, #tpu.memory_space<vmem>> -> memref<1x128x32xf32, #tpu.memory_space<vmem>>
      %dma_start3A_118 = tpu.memref_squeeze %dma_start3A_117 : memref<1x128x32xf32, #tpu.memory_space<vmem>> -> memref<128x32xf32, #tpu.memory_space<vmem>>
      %dma_start3A_119 = arith.constant 128 : i32
      %dma_start3A_120 = tpu.memref_slice %arg5[%add3A_102, %dma_start3A_119] : memref<50x512xi32, #tpu.memory_space<vmem>> -> memref<1x128xi32, #tpu.memory_space<vmem>>
      %dma_start3A_121 = tpu.memref_squeeze %dma_start3A_120 : memref<1x128xi32, #tpu.memory_space<vmem>> -> memref<128xi32, #tpu.memory_space<vmem>>
      %dma_start3A_122 = arith.constant 0 : i32
      %dma_start3A_123 = arith.constant 0 : i32
      %dma_start3A_124 = tpu.memref_slice %arg3[%dma_start3A_122, %dma_start3A_123] : memref<1000000x32xf32, #tpu.memory_space<hbm>> -> memref<1000000x32xf32, #tpu.memory_space<hbm>>
      tpu.enqueue_indirect_dma source(%dma_start3A_124 : memref<1000000x32xf32, #tpu.memory_space<hbm>>) target(%dma_start3A_118 : memref<128x32xf32, #tpu.memory_space<vmem>>) offsets(%dma_start3A_121 : memref<128xi32, #tpu.memory_space<vmem>>) semaphore(%arg8 : memref<!tpu.dma_semaphore, #tpu.memory_space<semaphore_mem>>)
      %dma_start3A_125 = arith.constant 1 : i32
      %dma_start3A_126 = arith.constant 256 : i32
      %dma_start3A_127 = arith.constant 0 : i32
      %dma_start3A_128 = tpu.memref_slice %arg6[%dma_start3A_125, %dma_start3A_126, %dma_start3A_127] : memref<2x512x32xf32, #tpu.memory_space<vmem>> -> memref<1x128x32xf32, #tpu.memory_space<vmem>>
      %dma_start3A_129 = tpu.memref_squeeze %dma_start3A_128 : memref<1x128x32xf32, #tpu.memory_space<vmem>> -> memref<128x32xf32, #tpu.memory_space<vmem>>
      %dma_start3A_130 = arith.constant 256 : i32
      %dma_start3A_131 = tpu.memref_slice %arg5[%add3A_102, %dma_start3A_130] : memref<50x512xi32, #tpu.memory_space<vmem>> -> memref<1x128xi32, #tpu.memory_space<vmem>>
      %dma_start3A_132 = tpu.memref_squeeze %dma_start3A_131 : memref<1x128xi32, #tpu.memory_space<vmem>> -> memref<128xi32, #tpu.memory_space<vmem>>
      %dma_start3A_133 = arith.constant 0 : i32
      %dma_start3A_134 = arith.constant 0 : i32
      %dma_start3A_135 = tpu.memref_slice %arg3[%dma_start3A_133, %dma_start3A_134] : memref<1000000x32xf32, #tpu.memory_space<hbm>> -> memref<1000000x32xf32, #tpu.memory_space<hbm>>
      tpu.enqueue_indirect_dma source(%dma_start3A_135 : memref<1000000x32xf32, #tpu.memory_space<hbm>>) target(%dma_start3A_129 : memref<128x32xf32, #tpu.memory_space<vmem>>) offsets(%dma_start3A_132 : memref<128xi32, #tpu.memory_space<vmem>>) semaphore(%arg8 : memref<!tpu.dma_semaphore, #tpu.memory_space<semaphore_mem>>)
      %dma_start3A_136 = arith.constant 1 : i32
      %dma_start3A_137 = arith.constant 384 : i32
      %dma_start3A_138 = arith.constant 0 : i32
      %dma_start3A_139 = tpu.memref_slice %arg6[%dma_start3A_136, %dma_start3A_137, %dma_start3A_138] : memref<2x512x32xf32, #tpu.memory_space<vmem>> -> memref<1x128x32xf32, #tpu.memory_space<vmem>>
      %dma_start3A_140 = tpu.memref_squeeze %dma_start3A_139 : memref<1x128x32xf32, #tpu.memory_space<vmem>> -> memref<128x32xf32, #tpu.memory_space<vmem>>
      %dma_start3A_141 = arith.constant 384 : i32
      %dma_start3A_142 = tpu.memref_slice %arg5[%add3A_102, %dma_start3A_141] : memref<50x512xi32, #tpu.memory_space<vmem>> -> memref<1x128xi32, #tpu.memory_space<vmem>>
      %dma_start3A_143 = tpu.memref_squeeze %dma_start3A_142 : memref<1x128xi32, #tpu.memory_space<vmem>> -> memref<128xi32, #tpu.memory_space<vmem>>
      %dma_start3A_144 = arith.constant 0 : i32
      %dma_start3A_145 = arith.constant 0 : i32
      %dma_start3A_146 = tpu.memref_slice %arg3[%dma_start3A_144, %dma_start3A_145] : memref<1000000x32xf32, #tpu.memory_space<hbm>> -> memref<1000000x32xf32, #tpu.memory_space<hbm>>
      tpu.enqueue_indirect_dma source(%dma_start3A_146 : memref<1000000x32xf32, #tpu.memory_space<hbm>>) target(%dma_start3A_140 : memref<128x32xf32, #tpu.memory_space<vmem>>) offsets(%dma_start3A_143 : memref<128xi32, #tpu.memory_space<vmem>>) semaphore(%arg8 : memref<!tpu.dma_semaphore, #tpu.memory_space<semaphore_mem>>)
      %dma_wait3A_147 = arith.constant 0 : i32
      %dma_wait3A_148 = arith.constant 0 : i32
      %dma_wait3A_149 = arith.constant 0 : i32
      %dma_wait3A_150 = tpu.memref_slice %arg6[%dma_wait3A_147, %dma_wait3A_148, %dma_wait3A_149] : memref<2x512x32xf32, #tpu.memory_space<vmem>> -> memref<1x128x32xf32, #tpu.memory_space<vmem>>
      %dma_wait3A_151 = tpu.memref_squeeze %dma_wait3A_150 : memref<1x128x32xf32, #tpu.memory_space<vmem>> -> memref<128x32xf32, #tpu.memory_space<vmem>>
      %dma_wait3A_152 = arith.constant 0 : i32
      %dma_wait3A_153 = tpu.memref_slice %arg5[%add3A_55, %dma_wait3A_152] : memref<50x512xi32, #tpu.memory_space<vmem>> -> memref<1x128xi32, #tpu.memory_space<vmem>>
      %dma_wait3A_154 = tpu.memref_squeeze %dma_wait3A_153 : memref<1x128xi32, #tpu.memory_space<vmem>> -> memref<128xi32, #tpu.memory_space<vmem>>
      %dma_wait3A_155 = arith.constant 0 : i32
      %dma_wait3A_156 = arith.constant 0 : i32
      %dma_wait3A_157 = tpu.memref_slice %arg3[%dma_wait3A_155, %dma_wait3A_156] : memref<1000000x32xf32, #tpu.memory_space<hbm>> -> memref<1000000x32xf32, #tpu.memory_space<hbm>>
      tpu.wait_indirect_dma semaphore(%arg8 : memref<!tpu.dma_semaphore, #tpu.memory_space<semaphore_mem>>) src(%dma_wait3A_157 : memref<1000000x32xf32, #tpu.memory_space<hbm>>) dst(%dma_wait3A_151 : memref<128x32xf32, #tpu.memory_space<vmem>>)
      %dma_wait3A_158 = arith.constant 0 : i32
      %dma_wait3A_159 = arith.constant 128 : i32
      %dma_wait3A_160 = arith.constant 0 : i32
      %dma_wait3A_161 = tpu.memref_slice %arg6[%dma_wait3A_158, %dma_wait3A_159, %dma_wait3A_160] : memref<2x512x32xf32, #tpu.memory_space<vmem>> -> memref<1x128x32xf32, #tpu.memory_space<vmem>>
      %dma_wait3A_162 = tpu.memref_squeeze %dma_wait3A_161 : memref<1x128x32xf32, #tpu.memory_space<vmem>> -> memref<128x32xf32, #tpu.memory_space<vmem>>
      %dma_wait3A_163 = arith.constant 128 : i32
      %dma_wait3A_164 = tpu.memref_slice %arg5[%add3A_55, %dma_wait3A_163] : memref<50x512xi32, #tpu.memory_space<vmem>> -> memref<1x128xi32, #tpu.memory_space<vmem>>
      %dma_wait3A_165 = tpu.memref_squeeze %dma_wait3A_164 : memref<1x128xi32, #tpu.memory_space<vmem>> -> memref<128xi32, #tpu.memory_space<vmem>>
      %dma_wait3A_166 = arith.constant 0 : i32
      %dma_wait3A_167 = arith.constant 0 : i32
      %dma_wait3A_168 = tpu.memref_slice %arg3[%dma_wait3A_166, %dma_wait3A_167] : memref<1000000x32xf32, #tpu.memory_space<hbm>> -> memref<1000000x32xf32, #tpu.memory_space<hbm>>
      tpu.wait_indirect_dma semaphore(%arg8 : memref<!tpu.dma_semaphore, #tpu.memory_space<semaphore_mem>>) src(%dma_wait3A_168 : memref<1000000x32xf32, #tpu.memory_space<hbm>>) dst(%dma_wait3A_162 : memref<128x32xf32, #tpu.memory_space<vmem>>)
      %dma_wait3A_169 = arith.constant 0 : i32
      %dma_wait3A_170 = arith.constant 256 : i32
      %dma_wait3A_171 = arith.constant 0 : i32
      %dma_wait3A_172 = tpu.memref_slice %arg6[%dma_wait3A_169, %dma_wait3A_170, %dma_wait3A_171] : memref<2x512x32xf32, #tpu.memory_space<vmem>> -> memref<1x128x32xf32, #tpu.memory_space<vmem>>
      %dma_wait3A_173 = tpu.memref_squeeze %dma_wait3A_172 : memref<1x128x32xf32, #tpu.memory_space<vmem>> -> memref<128x32xf32, #tpu.memory_space<vmem>>
      %dma_wait3A_174 = arith.constant 256 : i32
      %dma_wait3A_175 = tpu.memref_slice %arg5[%add3A_55, %dma_wait3A_174] : memref<50x512xi32, #tpu.memory_space<vmem>> -> memref<1x128xi32, #tpu.memory_space<vmem>>
      %dma_wait3A_176 = tpu.memref_squeeze %dma_wait3A_175 : memref<1x128xi32, #tpu.memory_space<vmem>> -> memref<128xi32, #tpu.memory_space<vmem>>
      %dma_wait3A_177 = arith.constant 0 : i32
      %dma_wait3A_178 = arith.constant 0 : i32
      %dma_wait3A_179 = tpu.memref_slice %arg3[%dma_wait3A_177, %dma_wait3A_178] : memref<1000000x32xf32, #tpu.memory_space<hbm>> -> memref<1000000x32xf32, #tpu.memory_space<hbm>>
      tpu.wait_indirect_dma semaphore(%arg8 : memref<!tpu.dma_semaphore, #tpu.memory_space<semaphore_mem>>) src(%dma_wait3A_179 : memref<1000000x32xf32, #tpu.memory_space<hbm>>) dst(%dma_wait3A_173 : memref<128x32xf32, #tpu.memory_space<vmem>>)
      %dma_wait3A_180 = arith.constant 0 : i32
      %dma_wait3A_181 = arith.constant 384 : i32
      %dma_wait3A_182 = arith.constant 0 : i32
      %dma_wait3A_183 = tpu.memref_slice %arg6[%dma_wait3A_180, %dma_wait3A_181, %dma_wait3A_182] : memref<2x512x32xf32, #tpu.memory_space<vmem>> -> memref<1x128x32xf32, #tpu.memory_space<vmem>>
      %dma_wait3A_184 = tpu.memref_squeeze %dma_wait3A_183 : memref<1x128x32xf32, #tpu.memory_space<vmem>> -> memref<128x32xf32, #tpu.memory_space<vmem>>
      %dma_wait3A_185 = arith.constant 384 : i32
      %dma_wait3A_186 = tpu.memref_slice %arg5[%add3A_55, %dma_wait3A_185] : memref<50x512xi32, #tpu.memory_space<vmem>> -> memref<1x128xi32, #tpu.memory_space<vmem>>
      %dma_wait3A_187 = tpu.memref_squeeze %dma_wait3A_186 : memref<1x128xi32, #tpu.memory_space<vmem>> -> memref<128xi32, #tpu.memory_space<vmem>>
      %dma_wait3A_188 = arith.constant 0 : i32
      %dma_wait3A_189 = arith.constant 0 : i32
      %dma_wait3A_190 = tpu.memref_slice %arg3[%dma_wait3A_188, %dma_wait3A_189] : memref<1000000x32xf32, #tpu.memory_space<hbm>> -> memref<1000000x32xf32, #tpu.memory_space<hbm>>
      tpu.wait_indirect_dma semaphore(%arg8 : memref<!tpu.dma_semaphore, #tpu.memory_space<semaphore_mem>>) src(%dma_wait3A_190 : memref<1000000x32xf32, #tpu.memory_space<hbm>>) dst(%dma_wait3A_184 : memref<128x32xf32, #tpu.memory_space<vmem>>)
      %broadcast_in_dim3A = arith.constant 0 : i32
      %broadcast_in_dim3A_191 = vector.broadcast %broadcast_in_dim3A : i32 to vector<16xi32>
      %parallel_loop3A = arith.constant 0 : i32
      %parallel_loop3A_192 = arith.constant 512 : i32
      %parallel_loop3A_193 = arith.constant 1 : i32
      %parallel_loop3A_194 = scf.for %parallel_loop3A_283 = %parallel_loop3A to %parallel_loop3A_192 step %parallel_loop3A_193 iter_args(%parallel_loop3A_284 = %broadcast_in_dim3A_191) -> (vector<16xi32>)  : i32 {
        %parallel_loop3A_285 = arith.constant 0 : i32
        %parallel_loop3A_286 = arith.index_cast %parallel_loop3A_285 : i32 to index
        %parallel_loop3A_287 = arith.index_cast %parallel_loop3A_283 : i32 to index
        %parallel_loop3A_288 = arith.constant 0 : index
        %parallel_loop3A_289 = tpu.vector_load %arg6[%parallel_loop3A_286, %parallel_loop3A_287, %parallel_loop3A_288] {strides = array<i32>} : memref<2x512x32xf32, #tpu.memory_space<vmem>>, vector<16xf32>,
        %parallel_loop3A_290 = arith.constant 0 : i32
        %parallel_loop3A_291 = arith.index_cast %parallel_loop3A_290 : i32 to index
        %parallel_loop3A_292 = arith.index_cast %parallel_loop3A_283 : i32 to index
        %parallel_loop3A_293 = arith.constant 16 : index
        %parallel_loop3A_294 = tpu.vector_load %arg6[%parallel_loop3A_291, %parallel_loop3A_292, %parallel_loop3A_293] {strides = array<i32>} : memref<2x512x32xf32, #tpu.memory_space<vmem>>, vector<16xf32>,
        %parallel_loop3A_295 = arith.constant 0 : i32
        %parallel_loop3A_296 = arith.constant 0 : i32
        %parallel_loop3A_297 = arith.constant 0 : i32
        %parallel_loop3A_298 = tpu.memref_slice %arg7[%parallel_loop3A_295, %parallel_loop3A_296, %parallel_loop3A_297] : memref<2x32x513xf32, #tpu.memory_space<vmem>> -> memref<1x32x513xf32, #tpu.memory_space<vmem>>
        %parallel_loop3A_299 = tpu.memref_squeeze %parallel_loop3A_298 : memref<1x32x513xf32, #tpu.memory_space<vmem>> -> memref<32x513xf32, #tpu.memory_space<vmem>>
        tpu.vector_store_idx %parallel_loop3A_299[%iota3A, %parallel_loop3A_284], %parallel_loop3A_289 : memref<32x513xf32, #tpu.memory_space<vmem>>[vector<16xi32>, vector<16xi32>], vector<16xf32>,
        %parallel_loop3A_300 = arith.constant 0 : i32
        %parallel_loop3A_301 = arith.constant 0 : i32
        %parallel_loop3A_302 = arith.constant 0 : i32
        %parallel_loop3A_303 = tpu.memref_slice %arg7[%parallel_loop3A_300, %parallel_loop3A_301, %parallel_loop3A_302] : memref<2x32x513xf32, #tpu.memory_space<vmem>> -> memref<1x32x513xf32, #tpu.memory_space<vmem>>
        %parallel_loop3A_304 = tpu.memref_squeeze %parallel_loop3A_303 : memref<1x32x513xf32, #tpu.memory_space<vmem>> -> memref<32x513xf32, #tpu.memory_space<vmem>>
        tpu.vector_store_idx %parallel_loop3A_304[%add3A_5, %parallel_loop3A_284], %parallel_loop3A_294 : memref<32x513xf32, #tpu.memory_space<vmem>>[vector<16xi32>, vector<16xi32>], vector<16xf32>,
        %parallel_loop3A_305 = arith.constant 1 : i32
        %parallel_loop3A_306 = vector.broadcast %parallel_loop3A_305 : i32 to vector<16xi32>
        %parallel_loop3A_307 = arith.addi %parallel_loop3A_284, %parallel_loop3A_306 : vector<16xi32>
        scf.yield %parallel_loop3A_307 : vector<16xi32>
      } {sc.loop_unroll_factor = 8 : i64, sc.parallel_access}
      %mul3A_195 = arith.constant 2 : i32
      %mul3A_196 = arith.muli %add3A_49, %mul3A_195 : i32
      %add3A_197 = arith.constant 0 : i32
      %add3A_198 = arith.addi %mul3A_196, %add3A_197 : i32
      %dma_start3A_199 = arith.constant 0 : i32
      %dma_start3A_200 = arith.constant 0 : i32
      %dma_start3A_201 = arith.constant 0 : i32
      %dma_start3A_202 = tpu.memref_slice %arg7[%dma_start3A_199, %dma_start3A_200, %dma_start3A_201] : memref<2x32x513xf32, #tpu.memory_space<vmem>> -> memref<1x32x512xf32, #tpu.memory_space<vmem>>
      %dma_start3A_203 = tpu.memref_squeeze %dma_start3A_202 : memref<1x32x512xf32, #tpu.memory_space<vmem>> -> memref<32x512xf32, #tpu.memory_space<vmem>>
      %dma_start3A_204 = arith.constant 0 : i32
      %dma_start3A_205 = tpu.memref_slice %arg4[%add3A_198, %dma_start3A_204, %mul3A_2] : memref<50x32x16384xf32, #tpu.memory_space<hbm>> -> memref<1x32x512xf32, #tpu.memory_space<hbm>>
      %dma_start3A_206 = tpu.memref_squeeze %dma_start3A_205 : memref<1x32x512xf32, #tpu.memory_space<hbm>> -> memref<32x512xf32, #tpu.memory_space<hbm>>
      %dma_start3A_207 = arith.constant 0 : i32
      %dma_start3A_208 = tpu.memref_slice %arg4[%add3A_198, %dma_start3A_207, %mul3A_2] : memref<50x32x16384xf32, #tpu.memory_space<hbm>> -> memref<1x32x512xf32, #tpu.memory_space<hbm>>
      %dma_start3A_209 = tpu.memref_squeeze %dma_start3A_208 : memref<1x32x512xf32, #tpu.memory_space<hbm>> -> memref<32x512xf32, #tpu.memory_space<hbm>>
      %dma_start3A_210 = arith.constant 0 : i32
      %dma_start3A_211 = arith.constant 0 : i32
      %dma_start3A_212 = tpu.memref_slice %arg7[%dma_start3A_199, %dma_start3A_210, %dma_start3A_211] : memref<2x32x513xf32, #tpu.memory_space<vmem>> -> memref<1x32x512xf32, #tpu.memory_space<vmem>>
      %dma_start3A_213 = tpu.memref_squeeze %dma_start3A_212 : memref<1x32x512xf32, #tpu.memory_space<vmem>> -> memref<32x512xf32, #tpu.memory_space<vmem>>
      tpu.enqueue_dma source(%dma_start3A_213 : memref<32x512xf32, #tpu.memory_space<vmem>>) target(%dma_start3A_209 : memref<32x512xf32, #tpu.memory_space<hbm>>) target_semaphore(%arg9 : memref<!tpu.dma_semaphore, #tpu.memory_space<semaphore_mem>>)
      %dma_wait3A_214 = arith.constant 1 : i32
      %dma_wait3A_215 = arith.constant 0 : i32
      %dma_wait3A_216 = arith.constant 0 : i32
      %dma_wait3A_217 = tpu.memref_slice %arg6[%dma_wait3A_214, %dma_wait3A_215, %dma_wait3A_216] : memref<2x512x32xf32, #tpu.memory_space<vmem>> -> memref<1x128x32xf32, #tpu.memory_space<vmem>>
      %dma_wait3A_218 = tpu.memref_squeeze %dma_wait3A_217 : memref<1x128x32xf32, #tpu.memory_space<vmem>> -> memref<128x32xf32, #tpu.memory_space<vmem>>
      %dma_wait3A_219 = arith.constant 0 : i32
      %dma_wait3A_220 = tpu.memref_slice %arg5[%add3A_102, %dma_wait3A_219] : memref<50x512xi32, #tpu.memory_space<vmem>> -> memref<1x128xi32, #tpu.memory_space<vmem>>
      %dma_wait3A_221 = tpu.memref_squeeze %dma_wait3A_220 : memref<1x128xi32, #tpu.memory_space<vmem>> -> memref<128xi32, #tpu.memory_space<vmem>>
      %dma_wait3A_222 = arith.constant 0 : i32
      %dma_wait3A_223 = arith.constant 0 : i32
      %dma_wait3A_224 = tpu.memref_slice %arg3[%dma_wait3A_222, %dma_wait3A_223] : memref<1000000x32xf32, #tpu.memory_space<hbm>> -> memref<1000000x32xf32, #tpu.memory_space<hbm>>
      tpu.wait_indirect_dma semaphore(%arg8 : memref<!tpu.dma_semaphore, #tpu.memory_space<semaphore_mem>>) src(%dma_wait3A_224 : memref<1000000x32xf32, #tpu.memory_space<hbm>>) dst(%dma_wait3A_218 : memref<128x32xf32, #tpu.memory_space<vmem>>)
      %dma_wait3A_225 = arith.constant 1 : i32
      %dma_wait3A_226 = arith.constant 128 : i32
      %dma_wait3A_227 = arith.constant 0 : i32
      %dma_wait3A_228 = tpu.memref_slice %arg6[%dma_wait3A_225, %dma_wait3A_226, %dma_wait3A_227] : memref<2x512x32xf32, #tpu.memory_space<vmem>> -> memref<1x128x32xf32, #tpu.memory_space<vmem>>
      %dma_wait3A_229 = tpu.memref_squeeze %dma_wait3A_228 : memref<1x128x32xf32, #tpu.memory_space<vmem>> -> memref<128x32xf32, #tpu.memory_space<vmem>>
      %dma_wait3A_230 = arith.constant 128 : i32
      %dma_wait3A_231 = tpu.memref_slice %arg5[%add3A_102, %dma_wait3A_230] : memref<50x512xi32, #tpu.memory_space<vmem>> -> memref<1x128xi32, #tpu.memory_space<vmem>>
      %dma_wait3A_232 = tpu.memref_squeeze %dma_wait3A_231 : memref<1x128xi32, #tpu.memory_space<vmem>> -> memref<128xi32, #tpu.memory_space<vmem>>
      %dma_wait3A_233 = arith.constant 0 : i32
      %dma_wait3A_234 = arith.constant 0 : i32
      %dma_wait3A_235 = tpu.memref_slice %arg3[%dma_wait3A_233, %dma_wait3A_234] : memref<1000000x32xf32, #tpu.memory_space<hbm>> -> memref<1000000x32xf32, #tpu.memory_space<hbm>>
      tpu.wait_indirect_dma semaphore(%arg8 : memref<!tpu.dma_semaphore, #tpu.memory_space<semaphore_mem>>) src(%dma_wait3A_235 : memref<1000000x32xf32, #tpu.memory_space<hbm>>) dst(%dma_wait3A_229 : memref<128x32xf32, #tpu.memory_space<vmem>>)
      %dma_wait3A_236 = arith.constant 1 : i32
      %dma_wait3A_237 = arith.constant 256 : i32
      %dma_wait3A_238 = arith.constant 0 : i32
      %dma_wait3A_239 = tpu.memref_slice %arg6[%dma_wait3A_236, %dma_wait3A_237, %dma_wait3A_238] : memref<2x512x32xf32, #tpu.memory_space<vmem>> -> memref<1x128x32xf32, #tpu.memory_space<vmem>>
      %dma_wait3A_240 = tpu.memref_squeeze %dma_wait3A_239 : memref<1x128x32xf32, #tpu.memory_space<vmem>> -> memref<128x32xf32, #tpu.memory_space<vmem>>
      %dma_wait3A_241 = arith.constant 256 : i32
      %dma_wait3A_242 = tpu.memref_slice %arg5[%add3A_102, %dma_wait3A_241] : memref<50x512xi32, #tpu.memory_space<vmem>> -> memref<1x128xi32, #tpu.memory_space<vmem>>
      %dma_wait3A_243 = tpu.memref_squeeze %dma_wait3A_242 : memref<1x128xi32, #tpu.memory_space<vmem>> -> memref<128xi32, #tpu.memory_space<vmem>>
      %dma_wait3A_244 = arith.constant 0 : i32
      %dma_wait3A_245 = arith.constant 0 : i32
      %dma_wait3A_246 = tpu.memref_slice %arg3[%dma_wait3A_244, %dma_wait3A_245] : memref<1000000x32xf32, #tpu.memory_space<hbm>> -> memref<1000000x32xf32, #tpu.memory_space<hbm>>
      tpu.wait_indirect_dma semaphore(%arg8 : memref<!tpu.dma_semaphore, #tpu.memory_space<semaphore_mem>>) src(%dma_wait3A_246 : memref<1000000x32xf32, #tpu.memory_space<hbm>>) dst(%dma_wait3A_240 : memref<128x32xf32, #tpu.memory_space<vmem>>)
      %dma_wait3A_247 = arith.constant 1 : i32
      %dma_wait3A_248 = arith.constant 384 : i32
      %dma_wait3A_249 = arith.constant 0 : i32
      %dma_wait3A_250 = tpu.memref_slice %arg6[%dma_wait3A_247, %dma_wait3A_248, %dma_wait3A_249] : memref<2x512x32xf32, #tpu.memory_space<vmem>> -> memref<1x128x32xf32, #tpu.memory_space<vmem>>
      %dma_wait3A_251 = tpu.memref_squeeze %dma_wait3A_250 : memref<1x128x32xf32, #tpu.memory_space<vmem>> -> memref<128x32xf32, #tpu.memory_space<vmem>>
      %dma_wait3A_252 = arith.constant 384 : i32
      %dma_wait3A_253 = tpu.memref_slice %arg5[%add3A_102, %dma_wait3A_252] : memref<50x512xi32, #tpu.memory_space<vmem>> -> memref<1x128xi32, #tpu.memory_space<vmem>>
      %dma_wait3A_254 = tpu.memref_squeeze %dma_wait3A_253 : memref<1x128xi32, #tpu.memory_space<vmem>> -> memref<128xi32, #tpu.memory_space<vmem>>
      %dma_wait3A_255 = arith.constant 0 : i32
      %dma_wait3A_256 = arith.constant 0 : i32
      %dma_wait3A_257 = tpu.memref_slice %arg3[%dma_wait3A_255, %dma_wait3A_256] : memref<1000000x32xf32, #tpu.memory_space<hbm>> -> memref<1000000x32xf32, #tpu.memory_space<hbm>>
      tpu.wait_indirect_dma semaphore(%arg8 : memref<!tpu.dma_semaphore, #tpu.memory_space<semaphore_mem>>) src(%dma_wait3A_257 : memref<1000000x32xf32, #tpu.memory_space<hbm>>) dst(%dma_wait3A_251 : memref<128x32xf32, #tpu.memory_space<vmem>>)
      %broadcast_in_dim3A_258 = arith.constant 0 : i32
      %broadcast_in_dim3A_259 = vector.broadcast %broadcast_in_dim3A_258 : i32 to vector<16xi32>
      %parallel_loop3A_260 = arith.constant 0 : i32
      %parallel_loop3A_261 = arith.constant 512 : i32
      %parallel_loop3A_262 = arith.constant 1 : i32
      %parallel_loop3A_263 = scf.for %parallel_loop3A_283 = %parallel_loop3A_260 to %parallel_loop3A_261 step %parallel_loop3A_262 iter_args(%parallel_loop3A_284 = %broadcast_in_dim3A_259) -> (vector<16xi32>)  : i32 {
        %parallel_loop3A_285 = arith.constant 1 : i32
        %parallel_loop3A_286 = arith.index_cast %parallel_loop3A_285 : i32 to index
        %parallel_loop3A_287 = arith.index_cast %parallel_loop3A_283 : i32 to index
        %parallel_loop3A_288 = arith.constant 0 : index
        %parallel_loop3A_289 = tpu.vector_load %arg6[%parallel_loop3A_286, %parallel_loop3A_287, %parallel_loop3A_288] {strides = array<i32>} : memref<2x512x32xf32, #tpu.memory_space<vmem>>, vector<16xf32>,
        %parallel_loop3A_290 = arith.constant 1 : i32
        %parallel_loop3A_291 = arith.index_cast %parallel_loop3A_290 : i32 to index
        %parallel_loop3A_292 = arith.index_cast %parallel_loop3A_283 : i32 to index
        %parallel_loop3A_293 = arith.constant 16 : index
        %parallel_loop3A_294 = tpu.vector_load %arg6[%parallel_loop3A_291, %parallel_loop3A_292, %parallel_loop3A_293] {strides = array<i32>} : memref<2x512x32xf32, #tpu.memory_space<vmem>>, vector<16xf32>,
        %parallel_loop3A_295 = arith.constant 1 : i32
        %parallel_loop3A_296 = arith.constant 0 : i32
        %parallel_loop3A_297 = arith.constant 0 : i32
        %parallel_loop3A_298 = tpu.memref_slice %arg7[%parallel_loop3A_295, %parallel_loop3A_296, %parallel_loop3A_297] : memref<2x32x513xf32, #tpu.memory_space<vmem>> -> memref<1x32x513xf32, #tpu.memory_space<vmem>>
        %parallel_loop3A_299 = tpu.memref_squeeze %parallel_loop3A_298 : memref<1x32x513xf32, #tpu.memory_space<vmem>> -> memref<32x513xf32, #tpu.memory_space<vmem>>
        tpu.vector_store_idx %parallel_loop3A_299[%iota3A, %parallel_loop3A_284], %parallel_loop3A_289 : memref<32x513xf32, #tpu.memory_space<vmem>>[vector<16xi32>, vector<16xi32>], vector<16xf32>,
        %parallel_loop3A_300 = arith.constant 1 : i32
        %parallel_loop3A_301 = arith.constant 0 : i32
        %parallel_loop3A_302 = arith.constant 0 : i32
        %parallel_loop3A_303 = tpu.memref_slice %arg7[%parallel_loop3A_300, %parallel_loop3A_301, %parallel_loop3A_302] : memref<2x32x513xf32, #tpu.memory_space<vmem>> -> memref<1x32x513xf32, #tpu.memory_space<vmem>>
        %parallel_loop3A_304 = tpu.memref_squeeze %parallel_loop3A_303 : memref<1x32x513xf32, #tpu.memory_space<vmem>> -> memref<32x513xf32, #tpu.memory_space<vmem>>
        tpu.vector_store_idx %parallel_loop3A_304[%add3A_5, %parallel_loop3A_284], %parallel_loop3A_294 : memref<32x513xf32, #tpu.memory_space<vmem>>[vector<16xi32>, vector<16xi32>], vector<16xf32>,
        %parallel_loop3A_305 = arith.constant 1 : i32
        %parallel_loop3A_306 = vector.broadcast %parallel_loop3A_305 : i32 to vector<16xi32>
        %parallel_loop3A_307 = arith.addi %parallel_loop3A_284, %parallel_loop3A_306 : vector<16xi32>
        scf.yield %parallel_loop3A_307 : vector<16xi32>
      } {sc.loop_unroll_factor = 8 : i64, sc.parallel_access}
      %mul3A_264 = arith.constant 2 : i32
      %mul3A_265 = arith.muli %add3A_49, %mul3A_264 : i32
      %add3A_266 = arith.constant 1 : i32
      %add3A_267 = arith.addi %mul3A_265, %add3A_266 : i32
      %dma_start3A_268 = arith.constant 1 : i32
      %dma_start3A_269 = arith.constant 0 : i32
      %dma_start3A_270 = arith.constant 0 : i32
      %dma_start3A_271 = tpu.memref_slice %arg7[%dma_start3A_268, %dma_start3A_269, %dma_start3A_270] : memref<2x32x513xf32, #tpu.memory_space<vmem>> -> memref<1x32x512xf32, #tpu.memory_space<vmem>>
      %dma_start3A_272 = tpu.memref_squeeze %dma_start3A_271 : memref<1x32x512xf32, #tpu.memory_space<vmem>> -> memref<32x512xf32, #tpu.memory_space<vmem>>
      %dma_start3A_273 = arith.constant 0 : i32
      %dma_start3A_274 = tpu.memref_slice %arg4[%add3A_267, %dma_start3A_273, %mul3A_2] : memref<50x32x16384xf32, #tpu.memory_space<hbm>> -> memref<1x32x512xf32, #tpu.memory_space<hbm>>
      %dma_start3A_275 = tpu.memref_squeeze %dma_start3A_274 : memref<1x32x512xf32, #tpu.memory_space<hbm>> -> memref<32x512xf32, #tpu.memory_space<hbm>>
      %dma_start3A_276 = arith.constant 0 : i32
      %dma_start3A_277 = tpu.memref_slice %arg4[%add3A_267, %dma_start3A_276, %mul3A_2] : memref<50x32x16384xf32, #tpu.memory_space<hbm>> -> memref<1x32x512xf32, #tpu.memory_space<hbm>>
      %dma_start3A_278 = tpu.memref_squeeze %dma_start3A_277 : memref<1x32x512xf32, #tpu.memory_space<hbm>> -> memref<32x512xf32, #tpu.memory_space<hbm>>
      %dma_start3A_279 = arith.constant 0 : i32
      %dma_start3A_280 = arith.constant 0 : i32
      %dma_start3A_281 = tpu.memref_slice %arg7[%dma_start3A_268, %dma_start3A_279, %dma_start3A_280] : memref<2x32x513xf32, #tpu.memory_space<vmem>> -> memref<1x32x512xf32, #tpu.memory_space<vmem>>
      %dma_start3A_282 = tpu.memref_squeeze %dma_start3A_281 : memref<1x32x512xf32, #tpu.memory_space<vmem>> -> memref<32x512xf32, #tpu.memory_space<vmem>>
      tpu.enqueue_dma source(%dma_start3A_282 : memref<32x512xf32, #tpu.memory_space<vmem>>) target(%dma_start3A_278 : memref<32x512xf32, #tpu.memory_space<hbm>>) target_semaphore(%arg9 : memref<!tpu.dma_semaphore, #tpu.memory_space<semaphore_mem>>)
    }
    %scan3A_9 = arith.constant 25 : i32
    %dma_wait3A = arith.constant 0 : i32
    %dma_wait3A_10 = arith.constant 0 : i32
    %dma_wait3A_11 = arith.constant 0 : i32
    %dma_wait3A_12 = arith.constant 0 : i32
    %dma_wait3A_13 = tpu.memref_slice %arg7[%dma_wait3A, %dma_wait3A_11, %dma_wait3A_12] : memref<2x32x513xf32, #tpu.memory_space<vmem>> -> memref<1x32x512xf32, #tpu.memory_space<vmem>>
    %dma_wait3A_14 = tpu.memref_squeeze %dma_wait3A_13 : memref<1x32x512xf32, #tpu.memory_space<vmem>> -> memref<32x512xf32, #tpu.memory_space<vmem>>
    %dma_wait3A_15 = arith.constant 0 : i32
    %dma_wait3A_16 = arith.constant 0 : i32
    %dma_wait3A_17 = tpu.memref_slice %arg4[%dma_wait3A_10, %dma_wait3A_15, %dma_wait3A_16] : memref<50x32x16384xf32, #tpu.memory_space<hbm>> -> memref<1x32x512xf32, #tpu.memory_space<hbm>>
    %dma_wait3A_18 = tpu.memref_squeeze %dma_wait3A_17 : memref<1x32x512xf32, #tpu.memory_space<hbm>> -> memref<32x512xf32, #tpu.memory_space<hbm>>
    %dma_wait3A_19 = arith.constant 0 : i32
    %dma_wait3A_20 = arith.constant 0 : i32
    %dma_wait3A_21 = tpu.memref_slice %arg4[%dma_wait3A_10, %dma_wait3A_19, %dma_wait3A_20] : memref<50x32x16384xf32, #tpu.memory_space<hbm>> -> memref<1x32x512xf32, #tpu.memory_space<hbm>>
    %dma_wait3A_22 = tpu.memref_squeeze %dma_wait3A_21 : memref<1x32x512xf32, #tpu.memory_space<hbm>> -> memref<32x512xf32, #tpu.memory_space<hbm>>
    %dma_wait3A_23 = arith.constant 0 : i32
    %dma_wait3A_24 = arith.constant 0 : i32
    %dma_wait3A_25 = tpu.memref_slice %arg7[%dma_wait3A, %dma_wait3A_23, %dma_wait3A_24] : memref<2x32x513xf32, #tpu.memory_space<vmem>> -> memref<1x32x512xf32, #tpu.memory_space<vmem>>
    %dma_wait3A_26 = tpu.memref_squeeze %dma_wait3A_25 : memref<1x32x512xf32, #tpu.memory_space<vmem>> -> memref<32x512xf32, #tpu.memory_space<vmem>>
    tpu.wait_dma2 semaphore(%arg9 : memref<!tpu.dma_semaphore, #tpu.memory_space<semaphore_mem>>) src(%dma_wait3A_26 : memref<32x512xf32, #tpu.memory_space<vmem>>) dst(%dma_wait3A_22 : memref<32x512xf32, #tpu.memory_space<hbm>>)
    %dma_wait3A_27 = arith.constant 1 : i32
    %dma_wait3A_28 = arith.constant 0 : i32
    %dma_wait3A_29 = arith.constant 0 : i32
    %dma_wait3A_30 = arith.constant 0 : i32
    %dma_wait3A_31 = tpu.memref_slice %arg7[%dma_wait3A_27, %dma_wait3A_29, %dma_wait3A_30] : memref<2x32x513xf32, #tpu.memory_space<vmem>> -> memref<1x32x512xf32, #tpu.memory_space<vmem>>
    %dma_wait3A_32 = tpu.memref_squeeze %dma_wait3A_31 : memref<1x32x512xf32, #tpu.memory_space<vmem>> -> memref<32x512xf32, #tpu.memory_space<vmem>>
    %dma_wait3A_33 = arith.constant 0 : i32
    %dma_wait3A_34 = arith.constant 0 : i32
    %dma_wait3A_35 = tpu.memref_slice %arg4[%dma_wait3A_28, %dma_wait3A_33, %dma_wait3A_34] : memref<50x32x16384xf32, #tpu.memory_space<hbm>> -> memref<1x32x512xf32, #tpu.memory_space<hbm>>
    %dma_wait3A_36 = tpu.memref_squeeze %dma_wait3A_35 : memref<1x32x512xf32, #tpu.memory_space<hbm>> -> memref<32x512xf32, #tpu.memory_space<hbm>>
    %dma_wait3A_37 = arith.constant 0 : i32
    %dma_wait3A_38 = arith.constant 0 : i32
    %dma_wait3A_39 = tpu.memref_slice %arg4[%dma_wait3A_28, %dma_wait3A_37, %dma_wait3A_38] : memref<50x32x16384xf32, #tpu.memory_space<hbm>> -> memref<1x32x512xf32, #tpu.memory_space<hbm>>
    %dma_wait3A_40 = tpu.memref_squeeze %dma_wait3A_39 : memref<1x32x512xf32, #tpu.memory_space<hbm>> -> memref<32x512xf32, #tpu.memory_space<hbm>>
    %dma_wait3A_41 = arith.constant 0 : i32
    %dma_wait3A_42 = arith.constant 0 : i32
    %dma_wait3A_43 = tpu.memref_slice %arg7[%dma_wait3A_27, %dma_wait3A_41, %dma_wait3A_42] : memref<2x32x513xf32, #tpu.memory_space<vmem>> -> memref<1x32x512xf32, #tpu.memory_space<vmem>>
    %dma_wait3A_44 = tpu.memref_squeeze %dma_wait3A_43 : memref<1x32x512xf32, #tpu.memory_space<vmem>> -> memref<32x512xf32, #tpu.memory_space<vmem>>
    tpu.wait_dma2 semaphore(%arg9 : memref<!tpu.dma_semaphore, #tpu.memory_space<semaphore_mem>>) src(%dma_wait3A_44 : memref<32x512xf32, #tpu.memory_space<vmem>>) dst(%dma_wait3A_40 : memref<32x512xf32, #tpu.memory_space<hbm>>)
    return
  }
}

</mosaic_0001>

<sc_bundles>
// kernel: kernel.3.cloned.1.call-start
scs
__scs_entry_jumppad:
0x0: {  	(pc) =	sbr.rel $0x88, $3  }
0x1: {  	(tag) =	ssettag $0x0;
	lr =	simm.s32 $0x1  }
0x2: {  	[smem:$0x3F9F] =	sst lr;
	_ =	strace $0xD0000000  }
0x3: {  	_ = 	snop  }
0x4: {  	_ = 	snop  }
0x5: {  	_ = 	snop  }
0x6: {  	_ = 	snop  }
0x7: {  	_ = 	snop  }
__scs_overlays_trampoline_lowered:
0x8: {  	[smem:$0x3FAE] =	sst s0  }
0x9: {  	[smem:$0x3FAF] =	sst s1  }
0xa: {  	[smem:$0x3FB0] =	sst s2  }
0xb: {  	[smem:$0x3FB1] =	sst s3  }
0xc: {  	[smem:$0x3FB2] =	sst s4  }
0xd: {  	[smem:$0x3FB3] =	sst s5  }
0xe: {  	[smem:$0x3FB4] =	sst s6  }
0xf: {  	[smem:$0x3FB5] =	sst s7  }
0x10: {  	[smem:$0x3FB6] =	sst s8  }
0x11: {  	[smem:$0x3FB7] =	sst s9;
	s0 =	simm.s32 @!p0 $0x0  }
0x12: {  	s1 =	sld [smem:$0x3F9D];
	s0 =	simm.s32 @p0 $0x1  }
0x13: {  	[smem:$0x3FB8] =	sst s0;
	s0 =	simm.s32 @!p1 $0x0  }
0x14: {  	s2 =	sld [smem:$0x3F9C];
	s0 =	simm.s32 @p1 $0x1  }
0x15: {  	[smem:$0x3FB9] =	sst s0;
	s0 =	simm.s32 @!p2 $0x0  }
0x16: {  	s3 =	sld [smem:$0x3FDB];
	s0 =	simm.s32 @p2 $0x1  }
0x17: {  	s4 =	simm.s32 $0x1BF5;
	[smem:$0x3FBB] =	sst s0  }
0x18: {  	s0 =	sld [smem:$0x3F9E];
	_ =	swait.ge [sflag:s4], $0x0  }
0x19: {  	s7 =	sld [smem:$0x3F9F]  }
0x1a: {  	s8 =	sadd.s32 $0xFFFFE003, lr  }
0x1b: {  	s9 =	sadd.s32 $0xFFFFFEF7, lr;
	s5 =	simm.s32 $0xFFFFFFFF;
	p2 =	slt.u32 s8, $0xFFFFF086  }
0x1c: {  	p1 =	slt.u32 s9, $0xF7A;
	s5 =	simm.s32 @!p2 $0x0  }
0x1d: {  	s5 =	simm.s32 @p1 $0x1;
	p0 =	seq.s32 s7, s2  }
0x1e: {  	s7 =	smul.u32 @!p0 $0xF7A, s2;
	p2 =	seq.s32 @!p0 s5, $0x0  }
0x1f: {  	s9 =	smul.u32 $0xF7A, s1;
	s8 =	simm.s32 @!p0 $0x1BF5;
	p2 =	por !p2, p0  }
0x20: {  	[sflag:s8] =	ssyncset.s32 @!p0 $0xFFFFF086;
	s6 =	sadd.s32 @!p0 s3, s7;
	s7 =	simm.s32 @!p0 $0x108  }
0x21: {  	s3 =	sadd.s32 s3, s9;
	s6 =	sadd.s32 @!p0 $0x88, s6;
	s7 =	simm.s32 @p2 $0x1082  }
0x22: {  	[simem:s7], [sflag:s8] =	dma.local @!p0 [hbm:s6], $0xF7A  }
0x23: {  	s9 =	sor.u32 $0xD0000000, s2;
	s6 =	simm.s32 $0x108;
	_ =	swait.ge @!p0 [sflag:s8], $0x0  }
0x24: {  	s3 =	sadd.s32 $0x88, s3;
	s6 =	simm.s32 @!p1 $0x1082;
	[sflag:s4] =	ssyncset.s32 $0xFFFFF086  }
0x25: {  	[simem:s6], [sflag:s4] =	dma.local [hbm:s3], $0xF7A  }
0x26: {  	[smem:$0x3F9F] =	sst s1;
	(tag) =	ssettag s2;
	_ =	strace s9  }
0x27: {  	s1 =	sld [smem:$0x3FAF]  }
0x28: {  	s2 =	sld [smem:$0x3FB0]  }
0x29: {  	s4 =	sld [smem:$0x3FB2]  }
0x2a: {  	p0 =	seq.s32 s5, $0x0;
	s5 =	sld [smem:$0x3FB3]  }
0x2b: {  	s6 =	sld [smem:$0x3FB4]  }
0x2c: {  	s7 =	sld [smem:$0x3FB5]  }
0x2d: {  	s3 =	simm.s32 $0x108;
	s8 =	sld [smem:$0x3FB6]  }
0x2e: {  	s3 =	simm.s32 @!p0 $0x1082;
	s9 =	sld [smem:$0x3FB7]  }
0x2f: {  	lr =	sadd.s32 s0, s3;
	s0 =	sld [smem:$0x3FAE]  }
0x30: {  	s3 =	sld [smem:$0x3FB1]  }
0x31: {  	[smem:$0x3FBA] =	sst s10  }
0x32: {  	s10 =	sld [smem:$0x3FB8];
	_ =	sdelay $0x3  }
0x33: {  	p0 =	seq.s32 s10, $0x1;
	s10 =	sld [smem:$0x3FBA];
	_ =	sdelay $0x3  }
0x34: {  	[smem:$0x3FBA] =	sst s10  }
0x35: {  	s10 =	sld [smem:$0x3FB9];
	_ =	sdelay $0x3  }
0x36: {  	p1 =	seq.s32 s10, $0x1;
	s10 =	sld [smem:$0x3FBA];
	_ =	sdelay $0x3  }
0x37: {  	[smem:$0x3FBA] =	sst s10  }
0x38: {  	s10 =	sld [smem:$0x3FBB]  }
0x39: {  	_ = 	snop;
	(pc) =	sbr.ind lr, $3  }
0x3a: {  	_ = 	snop  }
0x3b: {  	_ = 	snop  }
0x3c: {  	p2 =	seq.s32 s10, $0x1;
	s10 =	sld [smem:$0x3FBA]  }
0x3d: {  	_ =	shalt  }
0x3e: {  	_ =	shalt  }
0x3f: {  	_ =	shalt  }
0x40: {  	_ =	shalt  }
0x41: {  	_ =	shalt  }
0x42: {  	_ =	shalt  }
0x43: {  	_ =	shalt  }
0x44: {  	_ =	shalt  }
0x45: {  	_ =	shalt  }
0x46: {  	_ =	shalt  }
0x47: {  	_ =	shalt  }
0x48: {  	_ =	shalt  }
0x49: {  	_ =	shalt  }
0x4a: {  	_ =	shalt  }
0x4b: {  	_ =	shalt  }
0x4c: {  	_ =	shalt  }
0x4d: {  	_ =	shalt  }
0x4e: {  	_ =	shalt  }
0x4f: {  	_ =	shalt  }
0x50: {  	_ =	shalt  }
0x51: {  	_ =	shalt  }
0x52: {  	_ =	shalt  }
0x53: {  	_ =	shalt  }
0x54: {  	_ =	shalt  }
0x55: {  	_ =	shalt  }
0x56: {  	_ =	shalt  }
0x57: {  	_ =	shalt  }
0x58: {  	_ =	shalt  }
0x59: {  	_ =	shalt  }
0x5a: {  	_ =	shalt  }
0x5b: {  	_ =	shalt  }
0x5c: {  	_ =	shalt  }
0x5d: {  	_ =	shalt  }
0x5e: {  	_ =	shalt  }
0x5f: {  	_ =	shalt  }
0x60: {  	_ =	shalt  }
0x61: {  	_ =	shalt  }
0x62: {  	_ =	shalt  }
0x63: {  	_ =	shalt  }
0x64: {  	_ =	shalt  }
0x65: {  	_ =	shalt  }
0x66: {  	_ =	shalt  }
0x67: {  	_ =	shalt  }
0x68: {  	_ =	shalt  }
0x69: {  	_ =	shalt  }
0x6a: {  	_ =	shalt  }
0x6b: {  	_ =	shalt  }
0x6c: {  	_ =	shalt  }
0x6d: {  	_ =	shalt  }
0x6e: {  	_ =	shalt  }
0x6f: {  	_ =	shalt  }
0x70: {  	_ =	shalt  }
0x71: {  	_ =	shalt  }
0x72: {  	_ =	shalt  }
0x73: {  	_ =	shalt  }
0x74: {  	_ =	shalt  }
0x75: {  	_ =	shalt  }
0x76: {  	_ =	shalt  }
0x77: {  	_ =	shalt  }
0x78: {  	_ =	shalt  }
0x79: {  	_ =	shalt  }
0x7a: {  	_ =	shalt  }
0x7b: {  	_ =	shalt  }
0x7c: {  	_ =	shalt  }
0x7d: {  	_ =	shalt  }
0x7e: {  	_ =	shalt  }
0x7f: {  	_ =	shalt  }
0x80: {  	_ =	shalt  }
0x81: {  	_ =	shalt  }
0x82: {  	_ =	shalt  }
0x83: {  	_ =	shalt  }
0x84: {  	_ =	shalt  }
0x85: {  	_ =	shalt  }
0x86: {  	_ =	shalt  }
0x87: {  	_ =	shalt  }
.Lfunc_end0:
.L_simem_size_0:
called_computation_lowered:
.L_overlay_start_0:
0x88: {  	s2 =	sld [smem:$0x3FD9]  }
0x89: {  	s3 =	sld [smem:$0x3FFE];
	_ =	sdelay $0x1  }
0x8a: {  	s1 =	srdreg.scid  }
0x8b: {  	s0 =	sand.u32 $0x1, s1  }
0x8c: {  	s17 =	sshll.u32 s0, $0xA;
	s2 =	sadd.s32 s3, s2  }
0x8d: {  	s2 =	sadd.s32 s2, s17  }
0x8e: {  	[smem:$0x3FC6] =	sst s2  }
0x8f: {  	_ = 	snop  }
0x90: {  	s2 =	sld [smem:$0x3FD0];
	(tm) =	ssettm $0x1  }
0x91: {  	s18 =	sld [smem:$0x3FFB];
	_ =	sdelay $0x3  }
0x92: {  	_ =	strace s18  }
0x93: {  	s3 =	sld [smem:$0x3FFC];
	_ =	sdelay $0x3  }
0x94: {  	_ =	strace s3  }
0x95: {  	s3 =	sld [smem:$0x3FFD];
	_ =	sdelay $0x3  }
0x96: {  	_ =	strace s3  }
0x97: {  	_ =	strace $0x8FFFFFFF  }
0x98: {  	s19 =	sld [smem:$0x3FDB];
	_ =	sdelay $0x1  }
0x99: {  	s4 =	simm.s32 $_scs_section_size  }
0x9a: {  	s5 =	simm.s32 $_size__tile_overlayer_lowered;
	s6 =	simm.s32 $_tile_overlayer_lowered  }
0x9b: {  	s22 =	simm.s32 $0x1BFF;
	s21 =	sshll.u32 s6, $0x1;
	s3 =	sadd.s32 s4, s19  }
0x9c: {  	s7 =	simm.s32 $0x0;
	s20 =	sshll.u32 s5, $0x1;
	s5 =	sadd.s32 s21, s3  }
0x9d: {  	[timem:s7], [sflag:s22] =	dma.local [hbm:s5], s20  }
0x9e: {  	_ =	swait.ge [sflag:s22], s20  }
0x9f: {  	s4 =	ssub.s32 $0x0, s20;
	[sflag:s22] =	ssyncset.done $0x0  }
0xa0: {  	[sflag:s22] =	ssyncadd.s32 s4;
	_ =	sdelay $0x1  }
0xa1: {  	s23 =	simm.s32 $0x1B8B  }
0xa2: {  	_ =	swait.ge [sflag:s23], $0x1  }
0xa3: {  	[sflag:s23] =	ssyncset.done $0x0  }
0xa4: {  	s25 =	simm.s32 $0x1B8E;
	s24 =	sld [smem:$0x3FFE];
	[sflag:s23] =	ssyncadd.s32 $0xFFFFFFFF  }
0xa5: {  	s26 =	simm.s32 $execute0_lowered;
	[smem:$0x3FD2] =	sst s25  }
0xa6: {  	s5 =	sshll.u32 s26, $0x1;
	_ =	strace $0x80000046;
	[dreg:$0x1] =	wrdreg $0xFFFFFFFF  }
0xa7: {  	s28 =	simm.s32 $_size_execute0_lowered;
	s3 =	sadd.s32 s3, s5;
	[dreg:$0x0] =	wrdreg $0x0  }
0xa8: {  	s5 =	sshll.u32 s28, $0x1;
	[dreg:$0x2] =	wrdreg s3  }
0xa9: {  	[dreg:$0x3] =	wrdreg s5  }
0xaa: {  	[dreg:$0x4] =	wrdreg $0xC0  }
0xab: {  	_ =	task [dreg:s7], $0x5FFFF  }
0xac: {  	[dreg:$0x1] =	wrdreg $0xFFFFFFFF  }
0xad: {  	[dreg:$0x0] =	wrdreg $0x60  }
0xae: {  	[dreg:$0x2] =	wrdreg s2  }
0xaf: {  	[dreg:$0x3] =	wrdreg s24  }
0xb0: {  	[dreg:$0x4] =	wrdreg $0x9  }
0xb1: {  	_ =	task.clear_ibuf [dreg:s7], $0x5FFFF;
	_ =	strace $0x90000046  }
0xb2: {  	s29 =	simm.s32 $0x9;
	_ =	strace $0x80000048  }
0xb3: {  	_ =	swait.ge [sflag:s29], $0x1  }
0xb4: {  	[sflag:s29] =	ssyncadd.s32 $0xFFFFFFFF  }
0xb5: {  	_ =	strace $0x90000048  }
0xb6: {  	_ =	sfence  }
0xb7: {  	s30 =	sld [smem:$0x0];
	_ =	sdelay $0x2  }
0xb8: {  	s31 =	sshll.u32 s1, $0xD;
	s1 =	sshrl.u32 s1, $0x2  }
0xb9: {  	s3 =	sand.u32 $0x4000, s31;
	s1 =	sadd.s32 s1, s30  }
0xba: {  	s0 =	sor.u32 s3, s0;
	s1 =	sshll.u32 s1, $0x11  }
0xbb: {  	s0 =	sor.u32 s1, s0  }
0xbc: {  	s0 =	sadd.s32 $0x8F2B, s0  }
0xbd: {  	[sflag:s0] =	ssyncadd.remote.s32 $0x1  }
0xbe: {  	_ =	sfence.sel $0xFFFF  }
0xbf: {  	[dreg:$0x0] =	wrdreg $0xFFFFFFFF;
	(pc) =	sbr.abs _section_cstart, $3  }
0xc0: {  	[dreg:$0x1] =	wrdreg $0xFFFFFFFF  }
0xc1: {  	_ =	task.clear_ibuf [dreg:s7], $0x2FFFF;
	_ =	strace $0x9FFFFFFF  }
0xc2: {  	(tm) =	ssettm $0x7FFFFFFF  }
0xc3: {  	_ =	shalt  }
tec
execute0_lowered:
.L_overlay_start_1:
0x0: {  	(tag) =	ssettag $0x1  }
0x1: {  	s0 =	rddreg [dreg:$0x0]  }
0x2: {  	s5 =	rddreg [dreg:$0x1];
	s3 =	srdreg.scid  }
0x3: {  	s2 =	simm.s32 $0x0;
	s1 =	stileid.u32;
	s9 =	simm.s32 $0x4000  }
0x4: {  	s10 =	simm.s32 $0x3;
	s11 =	simm.s32 $0x80;
	s12 =	simm.s32 $0x6400  }
0x5: {  	s13 =	simm.s32 $0x7400;
	s14 =	simm.s32 $0x8400;
	s15 =	simm.s32 $0x9400  }
0x6: {  	v0 =	vlaneseq.u32;
	s16 =	simm.s32 $0xA400;
	s17 =	simm.s32 $0xB400;
	s18 =	simm.s32 $0xC400  }
0x7: {  	s19 =	simm.s32 $0xD400;
	s20 =	simm.s32 $0x1;
	s21 =	simm.s32 $0xE400;
	v0 =	vmul.u32 $0x208, v0  }
0x8: {  	s22 =	simm.s32 $0x12500;
	s23 =	simm.s32 $0x2;
	s24 =	simm.s32 $0x0  }
0x9: {  	s3 =	sand.u32 $0x1, s3;
	[smem:$0x7FF] =	sst s2;
	s4 =	sshll.u32 s1, $0xA;
	v1 =	vadd.s32 $0x2080, v0;
	v2 =	vor.u32 $0x1, v0;
	v3 =	vadd.s32 $0x2081, v0  }
0xa: {  	s6 =	sshll.u32 s3, $0x9;
	_ =	strace $0x80000047;
	s7 =	ssub.s32 $0x2, s3;
	v4 =	vor.u32 $0x2, v0;
	v5 =	vadd.s32 $0x2082, v0;
	v6 =	vor.u32 $0x3, v0  }
0xb: {  	s3 =	sor.u32 s6, s4;
	s4 =	sadd.s32 $0xF42A00, s5;
	s31 =	sshrl.u32 s7, $0x1;
	v7 =	vadd.s32 $0x2083, v0;
	v8 =	vor.u32 $0x4, v0;
	v9 =	vadd.s32 $0x2084, v0  }
0xc: {  	s5 =	sadd.s32 $0x600, s5;
	v10 =	vor.u32 $0x5, v0;
	v11 =	vadd.s32 $0x2085, v0;
	v12 =	vor.u32 $0x6, v0;
	s8 =	sshrl.u32 s3, $0x3;
	s7 =	ssub.s32 s7, s31  }
0xd: {  	v13 =	vadd.s32 $0x2086, v0;
	v14 =	vor.u32 $0x7, v0;
	v15 =	vadd.s32 $0x2087, v0;
	s6 =	sadd.s32 s0, s8;
	s7 =	smax.u32 s7, $0x1;
	s8 =	simm.s32 $0x200  }
.LBB2_1:
0xe: {  	[tilespmem:s2], [sflag:$0x3] =	stream.strided.gather [hbm4b:s6+s8], $0x6400, s9, s8, $0x38;
	[tilespmem:$0x16600] =	vst v63  }
0xf: {  	_ =	swait.ge [sflag:s10], $0x6400  }
0x10: {  	[sflag:s10] =	ssyncset.done $0x0  }
0x11: {  	s25 =	simm.s32 $0x0;
	[sflag:s10] =	ssyncadd.s32 $0xFFFF9C00  }
.LBB2_2:
0x12: {  	p0 =	seq.s32 s25, $0x0  }
0x13: {  	s0 =	simm.s32 @!p0 $0x2  }
0x14: {  	_ =	swait.ge @!p0 [sflag:s0], $0x4000  }
0x15: {  	[sflag:s0] =	ssyncset.done @!p0 $0x0  }
0x16: {  	[sflag:s0] =	ssyncadd.s32 @!p0 $0xFFFFC000  }
0x17: {  	_ =	swait.ge @!p0 [sflag:s0], $0x4000  }
0x18: {  	s26 =	sshll.u32 s25, $0xA;
	[sflag:s0] =	ssyncset.done @!p0 $0x0  }
0x19: {  	s30 =	sand.u32 $0x3FFFFC00, s26;
	[sflag:s0] =	ssyncadd.s32 @!p0 $0xFFFFC000  }
0x1a: {  	[tilespmem:s12], [sflag:$0x1] =	stream.indirect.gather [hbm4b:s4+s11], $0x20, s30, s11, $0xb8;
	[tilespmem:$0x16600] =	vst v63  }
0x1b: {  	s26 =	sor.u32 $0x80, s30  }
0x1c: {  	[tilespmem:s13], [sflag:$0x1] =	stream.indirect.gather [hbm4b:s4+s11], $0x20, s26, s11, $0xb8;
	[tilespmem:$0x16600] =	vst v63  }
0x1d: {  	s31 =	sor.u32 $0x100, s30;
	s26 =	sshllo.u32 s25, $0x1  }
0x1e: {  	[tilespmem:s14], [sflag:$0x1] =	stream.indirect.gather [hbm4b:s4+s11], $0x20, s31, s11, $0xb8;
	[tilespmem:$0x16600] =	vst v63  }
0x1f: {  	s0 =	sor.u32 $0x180, s30;
	s30 =	sshll.u32 s26, $0x9  }
0x20: {  	[tilespmem:s15], [sflag:$0x1] =	stream.indirect.gather [hbm4b:s4+s11], $0x20, s0, s11, $0xb8;
	[tilespmem:$0x16600] =	vst v63  }
0x21: {  	s0 =	sand.u32 $0x3FFFFE00, s30  }
0x22: {  	[tilespmem:s16], [sflag:$0x1] =	stream.indirect.gather [hbm4b:s4+s11], $0x20, s0, s11, $0xb8;
	[tilespmem:$0x16600] =	vst v63  }
0x23: {  	s28 =	sor.u32 $0x80, s0  }
0x24: {  	[tilespmem:s17], [sflag:$0x1] =	stream.indirect.gather [hbm4b:s4+s11], $0x20, s28, s11, $0xb8;
	[tilespmem:$0x16600] =	vst v63  }
0x25: {  	s28 =	sor.u32 $0x100, s0  }
0x26: {  	[tilespmem:s18], [sflag:$0x1] =	stream.indirect.gather [hbm4b:s4+s11], $0x20, s28, s11, $0xb8;
	[tilespmem:$0x16600] =	vst v63  }
0x27: {  	s0 =	sor.u32 $0x180, s0  }
0x28: {  	[tilespmem:s19], [sflag:$0x1] =	stream.indirect.gather [hbm4b:s4+s11], $0x20, s0, s11, $0xb8;
	[tilespmem:$0x16600] =	vst v63  }
0x29: {  	_ =	swait.ge [sflag:s20], $0x1000  }
0x2a: {  	[sflag:s20] =	ssyncset.done $0x0  }
0x2b: {  	[sflag:s20] =	ssyncadd.s32 $0xFFFFF000  }
0x2c: {  	_ =	swait.ge [sflag:s20], $0x1000  }
0x2d: {  	[sflag:s20] =	ssyncset.done $0x0  }
0x2e: {  	[sflag:s20] =	ssyncadd.s32 $0xFFFFF000  }
0x2f: {  	_ =	swait.ge [sflag:s20], $0x1000  }
0x30: {  	[sflag:s20] =	ssyncset.done $0x0  }
0x31: {  	[sflag:s20] =	ssyncadd.s32 $0xFFFFF000  }
0x32: {  	_ =	swait.ge [sflag:s20], $0x1000  }
0x33: {  	[sflag:s20] =	ssyncset.done $0x0  }
0x34: {  	s31 =	simm.s32 $0x6480;
	[sflag:s20] =	ssyncadd.s32 $0xFFFFF000  }
0x35: {  	v16 =	vld [tilespmem:s31+$0xFFFFFFB0]  }
0x36: {  	v18 =	vld [tilespmem:s31+$0x10]  }
0x37: {  	v17 =	vimm.s32 $0x0;
	v19 =	vld [tilespmem:s31+$0x0]  }
0x38: {  	v21 =	vadd.s32 v10, v17;
	v20 =	vld [tilespmem:s31+$0x20]  }
0x39: {  	v22 =	vadd.s32 v8, v17;
	v23 =	vld [tilespmem:s31+$0x60]  }
0x3a: {  	v24 =	vadd.s32 v14, v17;
	v25 =	vld [tilespmem:s31+$0x40]  }
0x3b: {  	v28 =	vadd.s32 v0, v17;
	v26 =	vld [tilespmem:s31+$0xFFFFFF80]  }
0x3c: {  	v29 =	vadd.s32 v15, v17;
	v30 =	vld [tilespmem:s31+$0x70]  }
0x3d: {  	v27 =	vadd.s32 v12, v17;
	v32 =	vld [tilespmem:s31+$0x30];
	[tilespmem:v21+s21+$0x0] =	vst.idx.msk $0xffff, v20  }
0x3e: {  	v31 =	vadd.s32 v13, v17;
	[tilespmem:v22+s21+$0x0] =	vst.idx.msk $0xffff, v19;
	v22 =	vld [tilespmem:s31+$0x50]  }
0x3f: {  	v33 =	vadd.s32 v11, v17;
	v21 =	vld [tilespmem:s31+$0xFFFFFFA0];
	[tilespmem:v24+s21+$0x0] =	vst.idx.msk $0xffff, v23  }
0x40: {  	v20 =	vld [tilespmem:s31+$0xFFFFFF90];
	[tilespmem:v28+s21+$0x0] =	vst.idx.msk $0xffff, v26;
	v28 =	vadd.s32 v9, v17  }
0x41: {  	v23 =	vld [tilespmem:s31+$0xFFFFFFE0];
	[tilespmem:v29+s21+$0x0] =	vst.idx.msk $0xffff, v30;
	v29 =	vadd.s32 v6, v17  }
0x42: {  	[tilespmem:v27+s21+$0x0] =	vst.idx.msk $0xffff, v25;
	v24 =	vld [tilespmem:s31+$0xFFFFFFF0];
	v26 =	vadd.s32 v7, v17  }
0x43: {  	v25 =	vld [tilespmem:s31+$0xFFFFFFC0];
	[tilespmem:v31+s21+$0x0] =	vst.idx.msk $0xffff, v22;
	v31 =	vadd.s32 v4, v17  }
0x44: {  	s29 =	simm.s32 $0x6580;
	s28 =	simm.s32 $0x0;
	v19 =	vadd.s32 v2, v17;
	v27 =	vld [tilespmem:s31+$0xFFFFFFD0];
	v30 =	vadd.s32 v5, v17;
	[tilespmem:v33+s21+$0x0] =	vst.idx.msk $0xffff, v32;
	v22 =	vadd.s32 $0x8, v17  }
.LBB2_3:
0x45: {  	v32 =	vld [tilespmem:s29+$0xFFFFFFB0];
	v33 =	vadd.s32 v2, v22;
	s28 =	sadd.s32 $0x8, s28;
	[tilespmem:v28+s21+$0x0] =	vst.idx.msk $0xffff, v18  }
0x46: {  	v28 =	vadd.s32 v1, v17;
	v34 =	vadd.s32 v3, v17;
	v17 =	vmov v22;
	v18 =	vld [tilespmem:s29+$0x10];
	p0 =	slt.u32 s28, $0x1F8;
	[tilespmem:v29+s21+$0x0] =	vst.idx.msk $0xffff, v23  }
0x47: {  	v23 =	vld [tilespmem:s29+$0x0];
	[tilespmem:v26+s21+$0x0] =	vst.idx.msk $0xffff, v24  }
0x48: {  	v26 =	vadd.s32 v10, v22;
	v24 =	vld [tilespmem:s29+$0x20];
	[tilespmem:v31+s21+$0x0] =	vst.idx.msk $0xffff, v25  }
0x49: {  	v25 =	vadd.s32 v8, v22;
	v31 =	vadd.s32 v14, v22;
	v29 =	vld [tilespmem:s29+$0x60];
	[tilespmem:v30+s21+$0x0] =	vst.idx.msk $0xffff, v27  }
0x4a: {  	v30 =	vadd.s32 v15, v22;
	v27 =	vld [tilespmem:s29+$0x40];
	[tilespmem:v19+s21+$0x0] =	vst.idx.msk $0xffff, v21;
	v19 =	vmov v33  }
0x4b: {  	v35 =	vadd.s32 v12, v22;
	v33 =	vld [tilespmem:s29+$0xFFFFFF80];
	[tilespmem:v34+s21+$0x0] =	vst.idx.msk $0xffff, v16;
	v16 =	vmov v32  }
0x4c: {  	v36 =	vadd.s32 v13, v22;
	v32 =	vadd.s32 v0, v22;
	v34 =	vld [tilespmem:s29+$0x30];
	[tilespmem:v28+s21+$0x0] =	vst.idx.msk $0xffff, v20  }
0x4d: {  	[tilespmem:v26+s21+$0x0] =	vst.idx.msk $0xffff, v24;
	v37 =	vld [tilespmem:s29+$0x70]  }
0x4e: {  	v38 =	vadd.s32 v11, v22;
	[tilespmem:v25+s21+$0x0] =	vst.idx.msk $0xffff, v23;
	v39 =	vld [tilespmem:s29+$0x50]  }
0x4f: {  	v21 =	vld [tilespmem:s29+$0xFFFFFFA0];
	[tilespmem:v31+s21+$0x0] =	vst.idx.msk $0xffff, v29  }
.Ltmp0:
0x50: {  	v28 =	vadd.s32 v9, v22;
	v20 =	vld [tilespmem:s29+$0xFFFFFF90];
	[tilespmem:v35+s21+$0x0] =	vst.idx.msk $0xffff, v27;
	(pc) =	sbr.rel @p0 .LBB2_3-.Ltmp0, $4  }
0x51: {  	v29 =	vadd.s32 v6, v22;
	[tilespmem:v32+s21+$0x0] =	vst.idx.msk $0xffff, v33;
	v23 =	vld [tilespmem:s29+$0xFFFFFFE0]  }
0x52: {  	v26 =	vadd.s32 v7, v22;
	v24 =	vld [tilespmem:s29+$0xFFFFFFF0];
	[tilespmem:v30+s21+$0x0] =	vst.idx.msk $0xffff, v37  }
0x53: {  	v31 =	vadd.s32 v4, v22;
	v25 =	vld [tilespmem:s29+$0xFFFFFFC0];
	[tilespmem:v36+s21+$0x0] =	vst.idx.msk $0xffff, v39  }
0x54: {  	v22 =	vadd.s32 $0x8, v22;
	v30 =	vadd.s32 v5, v17;
	v27 =	vld [tilespmem:s29+$0xFFFFFFD0];
	[tilespmem:v38+s21+$0x0] =	vst.idx.msk $0xffff, v34;
	s29 =	sadd.s32 $0x100, s29  }
0x55: {  	_ =	sdelay $0x3  }
0x56: {  	[tilespmem:v28+s21+$0x0] =	vst.idx.msk $0xffff, v18  }
0x57: {  	v63 =	vadd.s32 v3, v17;
	[tilespmem:v19+s21+$0x0] =	vst.idx.msk $0xffff, v21  }
0x58: {  	v17 =	vadd.s32 v1, v17;
	[tilespmem:v29+s21+$0x0] =	vst.idx.msk $0xffff, v23  }
0x59: {  	s0 =	sshll.u32 s25, $0x14;
	[tilespmem:v26+s21+$0x0] =	vst.idx.msk $0xffff, v24  }
0x5a: {  	s0 =	sor.u32 s3, s0;
	[tilespmem:v31+s21+$0x0] =	vst.idx.msk $0xffff, v25  }
0x5b: {  	s0 =	sshrl.u32 s0, $0x3;
	[tilespmem:v30+s21+$0x0] =	vst.idx.msk $0xffff, v27  }
0x5c: {  	s29 =	simm.s32 $0xE400;
	s28 =	sadd.s32 s5, s0;
	[tilespmem:v63+s21+$0x0] =	vst.idx.msk $0xffff, v16  }
0x5d: {  	s30 =	simm.s32 $0x800;
	s31 =	simm.s32 $0xE608;
	s0 =	sadd.s32 $0x0, s28;
	[tilespmem:v17+s21+$0x0] =	vst.idx.msk $0xffff, v20  }
.LBB2_5:
0x5e: {  	[hbm4b:s0+s2] =	stream.linear.scatter [tilespmem:s29], [sflag:$0x2], $0x200, $0x38;
	[tilespmem:$0x16600] =	vst v63  }
0x5f: {  	s0 =	smov.u32 s30;
	s29 =	smov.u32 s31;
	p0 =	sne.s32 s30, $0xF800  }
.Ltmp1:
0x60: {  	s30 =	sadd.s32 $0x800, s30;
	(pc) =	sbr.rel @p0 .LBB2_5-.Ltmp1, $2  }
0x61: {  	_ =	sdelay $0x2  }
0x62: {  	s31 =	sadd.s32 $0x208, s31;
	s0 =	sadd.s32 s0, s28  }
0x63: {  	[hbm4b:s0+s2] =	stream.linear.scatter [tilespmem:s29], [sflag:$0x2], $0x200, $0x38;
	[tilespmem:$0x16600] =	vst v63  }
0x64: {  	_ =	swait.ge [sflag:s20], $0x1000  }
0x65: {  	[sflag:s20] =	ssyncset.done $0x0  }
0x66: {  	[sflag:s20] =	ssyncadd.s32 $0xFFFFF000  }
0x67: {  	_ =	swait.ge [sflag:s20], $0x1000  }
0x68: {  	[sflag:s20] =	ssyncset.done $0x0  }
0x69: {  	[sflag:s20] =	ssyncadd.s32 $0xFFFFF000  }
0x6a: {  	_ =	swait.ge [sflag:s20], $0x1000  }
0x6b: {  	[sflag:s20] =	ssyncset.done $0x0  }
0x6c: {  	[sflag:s20] =	ssyncadd.s32 $0xFFFFF000  }
0x6d: {  	_ =	swait.ge [sflag:s20], $0x1000  }
0x6e: {  	[sflag:s20] =	ssyncset.done $0x0  }
0x6f: {  	s31 =	simm.s32 $0xA400;
	[sflag:s20] =	ssyncadd.s32 $0xFFFFF000  }
0x70: {  	v16 =	vld [tilespmem:s31+$0x30]  }
0x71: {  	v18 =	vld [tilespmem:s31+$0x90]  }
0x72: {  	v17 =	vimm.s32 $0x0;
	v19 =	vld [tilespmem:s31+$0x80]  }
0x73: {  	v21 =	vadd.s32 v10, v17;
	v20 =	vld [tilespmem:s31+$0xA0]  }
0x74: {  	v22 =	vadd.s32 v8, v17;
	v23 =	vld [tilespmem:s31+$0xE0]  }
0x75: {  	v24 =	vadd.s32 v14, v17;
	v25 =	vld [tilespmem:s31+$0xC0]  }
0x76: {  	v28 =	vadd.s32 v0, v17;
	v26 =	vld [tilespmem:s31+$0x0]  }
0x77: {  	v29 =	vadd.s32 v15, v17;
	v30 =	vld [tilespmem:s31+$0xF0]  }
0x78: {  	v27 =	vadd.s32 v12, v17;
	v32 =	vld [tilespmem:s31+$0xB0];
	[tilespmem:v21+s22+$0x0] =	vst.idx.msk $0xffff, v20  }
0x79: {  	v31 =	vadd.s32 v13, v17;
	[tilespmem:v22+s22+$0x0] =	vst.idx.msk $0xffff, v19;
	v22 =	vld [tilespmem:s31+$0xD0]  }
0x7a: {  	v33 =	vadd.s32 v11, v17;
	v21 =	vld [tilespmem:s31+$0x20];
	[tilespmem:v24+s22+$0x0] =	vst.idx.msk $0xffff, v23  }
0x7b: {  	v20 =	vld [tilespmem:s31+$0x10];
	[tilespmem:v28+s22+$0x0] =	vst.idx.msk $0xffff, v26;
	v28 =	vadd.s32 v9, v17  }
0x7c: {  	v23 =	vld [tilespmem:s31+$0x60];
	[tilespmem:v29+s22+$0x0] =	vst.idx.msk $0xffff, v30;
	v29 =	vadd.s32 v6, v17  }
0x7d: {  	[tilespmem:v27+s22+$0x0] =	vst.idx.msk $0xffff, v25;
	v24 =	vld [tilespmem:s31+$0x70];
	v26 =	vadd.s32 v7, v17  }
0x7e: {  	v25 =	vld [tilespmem:s31+$0x40];
	[tilespmem:v31+s22+$0x0] =	vst.idx.msk $0xffff, v22;
	v31 =	vadd.s32 v4, v17  }
0x7f: {  	s28 =	simm.s32 $0x0;
	s29 =	simm.s32 $0xA500;
	v19 =	vadd.s32 v2, v17;
	v27 =	vld [tilespmem:s31+$0x50];
	v30 =	vadd.s32 v5, v17;
	[tilespmem:v33+s22+$0x0] =	vst.idx.msk $0xffff, v32;
	v22 =	vadd.s32 $0x8, v17  }
.LBB2_7:
0x80: {  	v32 =	vld [tilespmem:s29+$0x30];
	v33 =	vadd.s32 v2, v22;
	s28 =	sadd.s32 $0x8, s28;
	[tilespmem:v28+s22+$0x0] =	vst.idx.msk $0xffff, v18  }
0x81: {  	v28 =	vadd.s32 v1, v17;
	v34 =	vadd.s32 v3, v17;
	v17 =	vmov v22;
	v18 =	vld [tilespmem:s29+$0x90];
	p0 =	slt.u32 s28, $0x1F8;
	[tilespmem:v29+s22+$0x0] =	vst.idx.msk $0xffff, v23  }
0x82: {  	v23 =	vld [tilespmem:s29+$0x80];
	[tilespmem:v26+s22+$0x0] =	vst.idx.msk $0xffff, v24  }
0x83: {  	v26 =	vadd.s32 v10, v22;
	v24 =	vld [tilespmem:s29+$0xA0];
	[tilespmem:v31+s22+$0x0] =	vst.idx.msk $0xffff, v25  }
0x84: {  	v25 =	vadd.s32 v8, v22;
	v31 =	vadd.s32 v14, v22;
	v29 =	vld [tilespmem:s29+$0xE0];
	[tilespmem:v30+s22+$0x0] =	vst.idx.msk $0xffff, v27  }
0x85: {  	v30 =	vadd.s32 v15, v22;
	v27 =	vld [tilespmem:s29+$0xC0];
	[tilespmem:v19+s22+$0x0] =	vst.idx.msk $0xffff, v21;
	v19 =	vmov v33  }
0x86: {  	v35 =	vadd.s32 v12, v22;
	v33 =	vld [tilespmem:s29+$0x0];
	[tilespmem:v34+s22+$0x0] =	vst.idx.msk $0xffff, v16;
	v16 =	vmov v32  }
0x87: {  	v36 =	vadd.s32 v13, v22;
	v32 =	vadd.s32 v0, v22;
	v34 =	vld [tilespmem:s29+$0xB0];
	[tilespmem:v28+s22+$0x0] =	vst.idx.msk $0xffff, v20  }
0x88: {  	[tilespmem:v26+s22+$0x0] =	vst.idx.msk $0xffff, v24;
	v37 =	vld [tilespmem:s29+$0xF0]  }
0x89: {  	v38 =	vadd.s32 v11, v22;
	[tilespmem:v25+s22+$0x0] =	vst.idx.msk $0xffff, v23;
	v39 =	vld [tilespmem:s29+$0xD0]  }
0x8a: {  	v21 =	vld [tilespmem:s29+$0x20];
	[tilespmem:v31+s22+$0x0] =	vst.idx.msk $0xffff, v29  }
.Ltmp2:
0x8b: {  	v28 =	vadd.s32 v9, v22;
	v20 =	vld [tilespmem:s29+$0x10];
	[tilespmem:v35+s22+$0x0] =	vst.idx.msk $0xffff, v27;
	(pc) =	sbr.rel @p0 .LBB2_7-.Ltmp2, $4  }
0x8c: {  	v29 =	vadd.s32 v6, v22;
	[tilespmem:v32+s22+$0x0] =	vst.idx.msk $0xffff, v33;
	v23 =	vld [tilespmem:s29+$0x60]  }
0x8d: {  	v26 =	vadd.s32 v7, v22;
	v24 =	vld [tilespmem:s29+$0x70];
	[tilespmem:v30+s22+$0x0] =	vst.idx.msk $0xffff, v37  }
0x8e: {  	v31 =	vadd.s32 v4, v22;
	v25 =	vld [tilespmem:s29+$0x40];
	[tilespmem:v36+s22+$0x0] =	vst.idx.msk $0xffff, v39  }
0x8f: {  	v22 =	vadd.s32 $0x8, v22;
	v30 =	vadd.s32 v5, v17;
	v27 =	vld [tilespmem:s29+$0x50];
	[tilespmem:v38+s22+$0x0] =	vst.idx.msk $0xffff, v34;
	s29 =	sadd.s32 $0x100, s29  }
0x90: {  	_ =	sdelay $0x3  }
0x91: {  	[tilespmem:v28+s22+$0x0] =	vst.idx.msk $0xffff, v18  }
0x92: {  	v63 =	vadd.s32 v3, v17;
	[tilespmem:v19+s22+$0x0] =	vst.idx.msk $0xffff, v21  }
0x93: {  	v17 =	vadd.s32 v1, v17;
	[tilespmem:v29+s22+$0x0] =	vst.idx.msk $0xffff, v23  }
0x94: {  	s0 =	sshll.u32 s26, $0x13;
	[tilespmem:v26+s22+$0x0] =	vst.idx.msk $0xffff, v24  }
0x95: {  	s0 =	sor.u32 s3, s0;
	[tilespmem:v31+s22+$0x0] =	vst.idx.msk $0xffff, v25  }
0x96: {  	s0 =	sshrl.u32 s0, $0x3;
	[tilespmem:v30+s22+$0x0] =	vst.idx.msk $0xffff, v27  }
0x97: {  	s28 =	simm.s32 $0x12500;
	s26 =	sadd.s32 s5, s0;
	[tilespmem:v63+s22+$0x0] =	vst.idx.msk $0xffff, v16  }
0x98: {  	s29 =	simm.s32 $0x800;
	s30 =	simm.s32 $0x12708;
	s0 =	sadd.s32 $0x0, s26;
	[tilespmem:v17+s22+$0x0] =	vst.idx.msk $0xffff, v20  }
.LBB2_9:
0x99: {  	[hbm4b:s0+s2] =	stream.linear.scatter [tilespmem:s28], [sflag:$0x2], $0x200, $0x38;
	[tilespmem:$0x16600] =	vst v63  }
0x9a: {  	s0 =	smov.u32 s29;
	s28 =	smov.u32 s30;
	p0 =	sne.s32 s29, $0xF800  }
.Ltmp3:
0x9b: {  	s29 =	sadd.s32 $0x800, s29;
	(pc) =	sbr.rel @p0 .LBB2_9-.Ltmp3, $2  }
0x9c: {  	_ =	sdelay $0x2  }
0x9d: {  	s30 =	sadd.s32 $0x208, s30;
	s0 =	sadd.s32 s0, s26  }
0x9e: {  	s25 =	sadd.s32 $0x1, s25  }
0x9f: {  	p0 =	sne.s32 s25, $0x19  }
.Ltmp4:
0xa0: {  	_ = 	snop;
	(pc) =	sbr.rel @p0 .LBB2_2-.Ltmp4, $2  }
0xa1: {  	_ =	sdelay $0x2  }
0xa2: {  	[hbm4b:s0+s2] =	stream.linear.scatter [tilespmem:s28], [sflag:$0x2], $0x200, $0x38;
	[tilespmem:$0x16600] =	vst v63  }
0xa3: {  	s24 =	sadd.s32 $0x1, s24  }
0xa4: {  	_ =	swait.ge [sflag:s23], $0x4000;
	p0 =	sne.s32 s24, s7  }
.Ltmp5:
0xa5: {  	[sflag:s23] =	ssyncset.done $0x0;
	(pc) =	sbr.rel @p0 .LBB2_1-.Ltmp5, $4  }
0xa6: {  	[sflag:s23] =	ssyncadd.s32 $0xFFFFC000  }
0xa7: {  	_ =	swait.ge [sflag:s23], $0x4000  }
0xa8: {  	[sflag:s23] =	ssyncset.done $0x0  }
0xa9: {  	[sflag:s23] =	ssyncadd.s32 $0xFFFFC000  }
0xaa: {  	_ =	sfence.sel $0x180000  }
0xab: {  	[bflag:$0x0] =	sbarrier.arrive $0xFFFF  }
0xac: {  	_ =	strace $0x90000047  }
0xad: {  	[bflag:$0x2] =	sbarrier.arrive $0xFFFF  }
0xae: {  	p0 =	sne.s32 s1, $0x0;
	s0 =	rddreg [dreg:$0x2]  }
0xaf: {  	s0 =	sadd.s32 @!p0 $0x100000, s0  }
0xb0: {  	[sflag:s0] =	ssyncadd.tile.s32 @!p0 $0x1;
	_ =	shalt  }
.Lfunc_end2:
_tile_overlayer_lowered:
.L_overlay_start_2:
0xb1: {  	(tag) =	ssettag $0x2  }
0xb2: {  	s0 =	rddreg [dreg:$0x0];
	s2 =	stileid.u32  }
0xb3: {  	s1 =	rddreg [dreg:$0x1];
	p0 =	sne.s32 s2, $0x0  }
0xb4: {  	s3 =	rddreg [dreg:$0x2];
	[bflag:$0x3] =	sbarrier.arrive $0xFFFF;
	s2 =	simm.s32 @!p0 $0x1C03  }
0xb5: {  	[timem:s3], [sflag:s2] =	dma.local @!p0 [hbm:s0], s1  }
0xb6: {  	s0 =	simm.s32 @!p0 $0x3  }
0xb7: {  	_ =	swait.ge @!p0 [sflag:s0], s1  }
0xb8: {  	s1 =	ssub.s32 @!p0 $0x0, s1;
	[sflag:s0] =	ssyncset.done @!p0 $0x0  }
0xb9: {  	[sflag:s0] =	ssyncadd.s32 @!p0 s1  }
0xba: {  	[bflag:$0x3] =	sbarrier.arrive $0xFFFF  }
0xbb: {  	_ =	shalt  }

</sc_bundles>
